<compile_context>
chip_gen: v7x
topology: tpu7x:2x2x1
jax: 0.10.2.dev20260603
libtpu: 0.0.44.dev20260713+nightly
codegen_flags: <defaults>
</compile_context>

<pallas_src>
import functools

import jax
import jax.numpy as jnp
from jax import lax
from jax.experimental import pallas as pl
from jax.experimental.pallas import tpu as pltpu
from jax.experimental.pallas import tpu_sc as plsc

B = 4
N = 10000
S = 12
E = 320000
NC_CLS = 10
PERIODS = 4
HID = 32

NUM_TILES = 32
EPT_DEG = E // NUM_TILES
NCHUNK = NUM_TILES // B
EPT_HIST = E // NCHUNK
EBLK = 2000
HISTN = N * NC_CLS

_mesh = plsc.VectorSubcoreMesh(core_axis_name="c", subcore_axis_name="s")
_sc_params = pltpu.CompilerParams(needs_layout_passes=False)


@functools.partial(
    pl.kernel,
    mesh=_mesh,
    out_type=jax.ShapeDtypeStruct((NUM_TILES * N,), jnp.float32),
    scratch_types=[
        pltpu.VMEM((N,), jnp.float32),
        pltpu.VMEM((EBLK,), jnp.int32),
    ],
    compiler_params=_sc_params,
)
def _deg_kernel(dst_hbm, zeros_hbm, out_hbm, deg_v, dbuf_v):
    wid = lax.axis_index("s") * 2 + lax.axis_index("c")
    pltpu.sync_copy(zeros_hbm.at[pl.ds(0, N)], deg_v)
    ones = jnp.ones((16,), jnp.float32)
    ebase = wid * EPT_DEG

    def blk_body(blk, carry):
        pltpu.sync_copy(dst_hbm.at[pl.ds(ebase + blk * EBLK, EBLK)], dbuf_v)

        def step(k, c2):
            d16 = dbuf_v[pl.ds(k * 16, 16)]
            plsc.addupdate_scatter(deg_v, [d16], ones)
            return c2

        return lax.fori_loop(0, EBLK // 16, step, carry)

    lax.fori_loop(0, EPT_DEG // EBLK, blk_body, 0)
    pltpu.sync_copy(deg_v, out_hbm.at[pl.ds(wid * N, N)])


def _norm_body(pd_ref, dis_ref, inv_ref):
    deg = jnp.sum(pd_ref[...], axis=0) + 1.0
    dis_ref[...] = lax.rsqrt(deg)
    inv_ref[...] = 1.0 / deg


def _norm_call(pdeg):
    return pl.pallas_call(
        _norm_body,
        out_shape=(
            jax.ShapeDtypeStruct((N,), jnp.float32),
            jax.ShapeDtypeStruct((N,), jnp.float32),
        ),
    )(pdeg)


@functools.partial(
    pl.kernel,
    mesh=_mesh,
    out_type=jax.ShapeDtypeStruct((NUM_TILES * HISTN,), jnp.float32),
    scratch_types=[
        pltpu.VMEM((HISTN,), jnp.float32),
        pltpu.VMEM((N,), jnp.float32),
        pltpu.VMEM((N,), jnp.int32),
        pltpu.VMEM((EBLK,), jnp.int32),
        pltpu.VMEM((EBLK,), jnp.int32),
    ],
    compiler_params=_sc_params,
)
def _hist_kernel(src_hbm, dst_hbm, cls_hbm, dis_hbm, zeros_hbm, out_hbm,
                 hist_v, dis_v, cls_v, sbuf_v, dbuf_v):
    wid = lax.axis_index("s") * 2 + lax.axis_index("c")
    b = lax.rem(wid, B)
    j = lax.div(wid, B)
    pltpu.sync_copy(zeros_hbm.at[pl.ds(0, HISTN)], hist_v)
    pltpu.sync_copy(dis_hbm.at[pl.ds(0, N)], dis_v)
    pltpu.sync_copy(cls_hbm.at[pl.ds(b * N, N)], cls_v)
    ebase = j * EPT_HIST
    ten = jnp.full((16,), 10, jnp.int32)

    def blk_body(blk, carry):
        base = ebase + blk * EBLK
        pltpu.sync_copy(src_hbm.at[pl.ds(base, EBLK)], sbuf_v)
        pltpu.sync_copy(dst_hbm.at[pl.ds(base, EBLK)], dbuf_v)

        def step(k, c2):
            s16 = sbuf_v[pl.ds(k * 16, 16)]
            d16 = dbuf_v[pl.ds(k * 16, 16)]
            val = plsc.load_gather(dis_v, [s16])
            c16 = plsc.load_gather(cls_v, [s16])
            idx = d16 * ten + c16
            plsc.addupdate_scatter(hist_v, [idx], val)
            return c2

        return lax.fori_loop(0, EBLK // 16, step, carry)

    lax.fori_loop(0, EPT_HIST // EBLK, blk_body, 0)
    pltpu.sync_copy(hist_v, out_hbm.at[pl.ds(wid * HISTN, HISTN)])


_BN = 2000
_NB_PER_BATCH = N // _BN


def _head_body(ph_ref, cls_ref, dis_ref, inv_ref, emb_ref, wz_ref, bz_ref,
               wh_ref, bh_ref, lzw_ref, lzb_ref, lhw_ref, lhb_ref,
               linw_ref, linb_ref, out_ref):
    ph = ph_ref[...]
    h = jnp.sum(ph.reshape(NCHUNK, _BN, NC_CLS), axis=0)
    h = h * dis_ref[...].reshape(_BN)[:, None]
    cls = cls_ref[...].reshape(_BN)
    onehot = lax.broadcasted_iota(jnp.int32, (_BN, NC_CLS), 1) == cls[:, None]
    h = h + jnp.where(onehot, inv_ref[...].reshape(_BN)[:, None], 0.0)

    lzw1 = lzw_ref[...][:HID, :]
    lhw1 = lhw_ref[...][:HID, :]
    gz = emb_ref[...] @ wz_ref[...] @ lzw1
    gh = emb_ref[...] @ wh_ref[...] @ lhw1
    cz = bz_ref[...][None, :] @ lzw1 + lzb_ref[...][None, :]
    ch = bh_ref[...][None, :] @ lhw1 + lhb_ref[...][None, :]

    z = jax.nn.sigmoid(h @ gz + cz)
    ht = jnp.tanh(h @ gh + ch)
    g = jax.nn.relu((1.0 - z) * ht)
    y = g @ linw_ref[...] + linb_ref[...][None, :]
    y4 = y.reshape(_BN, PERIODS, NC_CLS)
    m = jnp.max(y4, axis=-1, keepdims=True)
    e = jnp.exp(y4 - m)
    sm = e / jnp.sum(e, axis=-1, keepdims=True)
    out_ref[...] = sm.reshape(_BN, PERIODS * NC_CLS)


def _head_call(ph, cls_flat, dis, inv, emb, W_z, b_z, W_h, b_h,
               lz_W, lz_b, lh_W, lh_b, lin_W, lin_b):
    nsteps = (B * N) // _BN
    full = lambda shape: pl.BlockSpec(shape, lambda i: tuple(0 for _ in shape))
    return pl.pallas_call(
        _head_body,
        grid=(nsteps,),
        in_specs=[
            pl.BlockSpec((NCHUNK, 1, _BN, NC_CLS), lambda i: (0, i, 0, 0)),
            pl.BlockSpec((1, 1, _BN), lambda i: (i, 0, 0)),
            pl.BlockSpec((1, 1, _BN), lambda i: (i % _NB_PER_BATCH, 0, 0)),
            pl.BlockSpec((1, 1, _BN), lambda i: (i % _NB_PER_BATCH, 0, 0)),
            full((NC_CLS, NC_CLS)),
            full((NC_CLS, HID)),
            full((HID,)),
            full((NC_CLS, HID)),
            full((HID,)),
            full((2 * HID, HID)),
            full((HID,)),
            full((2 * HID, HID)),
            full((HID,)),
            full((HID, PERIODS * NC_CLS)),
            full((PERIODS * NC_CLS,)),
        ],
        out_specs=pl.BlockSpec((_BN, PERIODS * NC_CLS), lambda i: (i, 0)),
        out_shape=jax.ShapeDtypeStruct((B * N, PERIODS * NC_CLS), jnp.float32),
    )(ph, cls_flat, dis, inv, emb, W_z, b_z, W_h, b_h,
      lz_W, lz_b, lh_W, lh_b, lin_W, lin_b)


def kernel(x, edge_index, emb, W_z, b_z, W_r, b_r, W_h, b_h,
           lz_W, lz_b, lr_W, lr_b, lh_W, lh_b, lin_W, lin_b):
    del W_r, b_r, lr_W, lr_b
    src = edge_index[0]
    dst = edge_index[1]
    cls_flat = x[:, S - 1].astype(jnp.int32)
    zeros = jnp.zeros((HISTN,), jnp.float32)

    pdeg = _deg_kernel(dst, zeros)
    dis, inv = _norm_call(pdeg.reshape(NUM_TILES, N))
    ph = _hist_kernel(src, dst, cls_flat, dis, zeros)
    nsteps = (B * N) // _BN
    out = _head_call(ph.reshape(NCHUNK, nsteps, _BN, NC_CLS),
                     cls_flat.reshape(nsteps, 1, _BN),
                     dis.reshape(_NB_PER_BATCH, 1, _BN),
                     inv.reshape(_NB_PER_BATCH, 1, _BN),
                     emb, W_z, b_z, W_h, b_h,
                     lz_W, lz_b, lh_W, lh_b, lin_W, lin_b)
    return out.reshape(B * N, PERIODS, NC_CLS)

# --- scband reference (transcript-rebuilt; emitter-appended) ---
"""Pipeline reference for scband-gnn-52055003627741 (READ-ONLY COPY).

The authoritative reference and input builder live on the scoring server;
editing this copy changes nothing except your own understanding.
"""

import jax, jax.numpy as jnp
import numpy as np

B, N, S = 4, 10000, 12
E = 320000
N_CLASSES, PERIODS, HID = 10, 4, 32
EMB = N_CLASSES


def _gcn(XW, src, dst, norm, b):
    # XW: [B, N, HID] already weight-multiplied; gather along src, scatter-add to dst
    msgs = XW[:, src, :] * norm[None, :, None]
    out = jnp.zeros_like(XW).at[:, dst, :].add(msgs)
    return out + b


def setup_inputs(seed: int = 0) -> dict:
    key = jax.random.key(seed)
    ks = jax.random.split(key, 18)
    x = jax.random.randint(ks[0], (B * N, S), 0, N_CLASSES).astype(jnp.float32)
    edge_index = jax.random.randint(ks[1], (2, E), 0, N).astype(jnp.int32)
    emb = jax.random.normal(ks[2], (N_CLASSES, EMB), jnp.float32)
    W_z = jax.random.normal(ks[3], (EMB, HID), jnp.float32) * 0.1
    b_z = jnp.zeros((HID,), jnp.float32)
    W_r = jax.random.normal(ks[4], (EMB, HID), jnp.float32) * 0.1
    b_r = jnp.zeros((HID,), jnp.float32)
    W_h = jax.random.normal(ks[5], (EMB, HID), jnp.float32) * 0.1
    b_h = jnp.zeros((HID,), jnp.float32)
    lz_W = jax.random.normal(ks[6], (2 * HID, HID), jnp.float32) * 0.1
    lz_b = jnp.zeros((HID,), jnp.float32)
    lr_W = jax.random.normal(ks[7], (2 * HID, HID), jnp.float32) * 0.1
    lr_b = jnp.zeros((HID,), jnp.float32)
    lh_W = jax.random.normal(ks[8], (2 * HID, HID), jnp.float32) * 0.1
    lh_b = jnp.zeros((HID,), jnp.float32)
    lin_W = jax.random.normal(ks[9], (HID, PERIODS * N_CLASSES), jnp.float32) * 0.1
    lin_b = jnp.zeros((PERIODS * N_CLASSES,), jnp.float32)
    return {"x": x, "edge_index": edge_index, "emb": emb,
            "W_z": W_z, "b_z": b_z, "W_r": W_r, "b_r": b_r, "W_h": W_h, "b_h": b_h,
            "lz_W": lz_W, "lz_b": lz_b, "lr_W": lr_W, "lr_b": lr_b,
            "lh_W": lh_W, "lh_b": lh_b, "lin_W": lin_W, "lin_b": lin_b}


def reference(x, edge_index, emb, W_z, b_z, W_r, b_r, W_h, b_h,
              lz_W, lz_b, lr_W, lr_b, lh_W, lh_b, lin_W, lin_b):
    # embedding of discretized signal, keep last timestep
    xi = x.astype(jnp.int32)                 # [B*N, S] (x.long())
    xe = emb[xi]                              # [B*N, S, EMB]  embedding gather
    xe = xe.reshape(B, N, S, EMB)
    X = xe[:, :, -1, :]                       # [B, N, EMB]
    # GCN symmetric normalization with self loops (edge_weight = 1)
    src0, dst0 = edge_index[0], edge_index[1]
    loop = jnp.arange(N, dtype=src0.dtype)
    src = jnp.concatenate([src0, loop])
    dst = jnp.concatenate([dst0, loop])
    w = jnp.ones(src.shape[0], jnp.float32)
    deg = jnp.zeros((N,), jnp.float32).at[dst].add(w)
    dis = jnp.where(deg > 0, jax.lax.rsqrt(jnp.where(deg > 0, deg, 1.0)), 0.0)
    norm = dis[src] * w * dis[dst]
    # TGCN2 cell with H = 0
    H = jnp.zeros((B, N, HID), jnp.float32)
    Cz = _gcn(X @ W_z, src, dst, norm, b_z)
    Z = jax.nn.sigmoid(jnp.concatenate([Cz, H], axis=2) @ lz_W + lz_b)
    Cr = _gcn(X @ W_r, src, dst, norm, b_r)
    R = jax.nn.sigmoid(jnp.concatenate([Cr, H], axis=2) @ lr_W + lr_b)
    Ch = _gcn(X @ W_h, src, dst, norm, b_h)
    Ht = jnp.tanh(jnp.concatenate([Ch, H * R], axis=2) @ lh_W + lh_b)
    H = Z * H + (1.0 - Z) * Ht
    y = jax.nn.relu(H) @ lin_W + lin_b        # [B, N, PERIODS*N_CLASSES]
    y = y.reshape(B, N, PERIODS, N_CLASSES)
    y = y.reshape(B * N, PERIODS, N_CLASSES)
    return jax.nn.softmax(y, axis=-1)

if __name__ == "__main__":
    import jax
    _d = setup_inputs()
    print(jax.jit(kernel)(*tuple(_d.values())))

</pallas_src>

<mosaic_0001>
#map = affine_map<(d0, d1) -> (0)>
module attributes {stable_mosaic.version = 14 : i64} {
  func.func @_hist_kernel(%arg0: i32, %arg1: i32, %arg2: memref<320000xi32, #tpu.memory_space<hbm>>, %arg3: memref<320000xi32, #tpu.memory_space<hbm>>, %arg4: memref<40000xi32, #tpu.memory_space<hbm>>, %arg5: memref<10000xf32, #tpu.memory_space<hbm>>, %arg6: memref<100000xf32, #tpu.memory_space<hbm>>, %arg7: memref<3200000xf32, #tpu.memory_space<hbm>>, %arg8: memref<100000xf32, #tpu.memory_space<vmem>>, %arg9: memref<10000xf32, #tpu.memory_space<vmem>>, %arg10: memref<10000xi32, #tpu.memory_space<vmem>>, %arg11: memref<2000xi32, #tpu.memory_space<vmem>>, %arg12: memref<2000xi32, #tpu.memory_space<vmem>>) attributes {dimension_semantics = [#tpu.dimension_semantics<core_parallel>, #tpu.dimension_semantics<subcore_parallel>], iteration_bounds = array<i64: 2, 16>, scalar_prefetch = 0 : i64, scratch_operands = 5 : i64, tpu.core_type = #tpu.core_type<sc_vector_subcore>, window_params = [{transform_indices = #map}, {transform_indices = #map}, {transform_indices = #map}, {transform_indices = #map}, {transform_indices = #map}, {transform_indices = #map}]} {
    %mul3A = arith.constant 2 : i32
    %mul3A_0 = arith.muli %arg1, %mul3A : i32
    %add3A = arith.addi %mul3A_0, %arg0 : i32
    %rem3A = arith.constant 4 : i32
    %rem3A_1 = arith.remsi %add3A, %rem3A : i32
    %div3A = arith.constant 4 : i32
    %div3A_2 = arith.divsi %add3A, %div3A : i32
    "tpu.region"() ({
      %run_scoped3A = tpu.sem_alloc : memref<!tpu.dma_semaphore, #tpu.memory_space<semaphore_mem>>
      %dma_start3A = arith.constant 0 : i32
      %dma_start3A_15 = tpu.memref_slice %arg6[%dma_start3A] : memref<100000xf32, #tpu.memory_space<hbm>> -> memref<100000xf32, #tpu.memory_space<hbm>>
      %dma_start3A_16 = arith.constant 0 : i32
      %dma_start3A_17 = tpu.memref_slice %arg6[%dma_start3A_16] : memref<100000xf32, #tpu.memory_space<hbm>> -> memref<100000xf32, #tpu.memory_space<hbm>>
      tpu.enqueue_dma source(%dma_start3A_17 : memref<100000xf32, #tpu.memory_space<hbm>>) target(%arg8 : memref<100000xf32, #tpu.memory_space<vmem>>) target_semaphore(%run_scoped3A : memref<!tpu.dma_semaphore, #tpu.memory_space<semaphore_mem>>)
      %dma_wait3A = arith.constant 0 : i32
      %dma_wait3A_18 = tpu.memref_slice %arg6[%dma_wait3A] : memref<100000xf32, #tpu.memory_space<hbm>> -> memref<100000xf32, #tpu.memory_space<hbm>>
      %dma_wait3A_19 = arith.constant 0 : i32
      %dma_wait3A_20 = tpu.memref_slice %arg6[%dma_wait3A_19] : memref<100000xf32, #tpu.memory_space<hbm>> -> memref<100000xf32, #tpu.memory_space<hbm>>
      tpu.wait_dma2 semaphore(%run_scoped3A : memref<!tpu.dma_semaphore, #tpu.memory_space<semaphore_mem>>) src(%dma_wait3A_20 : memref<100000xf32, #tpu.memory_space<hbm>>) dst(%arg8 : memref<100000xf32, #tpu.memory_space<vmem>>)
      tpu.yield
    }) : () -> ()
    "tpu.region"() ({
      %run_scoped3A = tpu.sem_alloc : memref<!tpu.dma_semaphore, #tpu.memory_space<semaphore_mem>>
      %dma_start3A = arith.constant 0 : i32
      %dma_start3A_15 = tpu.memref_slice %arg5[%dma_start3A] : memref<10000xf32, #tpu.memory_space<hbm>> -> memref<10000xf32, #tpu.memory_space<hbm>>
      %dma_start3A_16 = arith.constant 0 : i32
      %dma_start3A_17 = tpu.memref_slice %arg5[%dma_start3A_16] : memref<10000xf32, #tpu.memory_space<hbm>> -> memref<10000xf32, #tpu.memory_space<hbm>>
      tpu.enqueue_dma source(%dma_start3A_17 : memref<10000xf32, #tpu.memory_space<hbm>>) target(%arg9 : memref<10000xf32, #tpu.memory_space<vmem>>) target_semaphore(%run_scoped3A : memref<!tpu.dma_semaphore, #tpu.memory_space<semaphore_mem>>)
      %dma_wait3A = arith.constant 0 : i32
      %dma_wait3A_18 = tpu.memref_slice %arg5[%dma_wait3A] : memref<10000xf32, #tpu.memory_space<hbm>> -> memref<10000xf32, #tpu.memory_space<hbm>>
      %dma_wait3A_19 = arith.constant 0 : i32
      %dma_wait3A_20 = tpu.memref_slice %arg5[%dma_wait3A_19] : memref<10000xf32, #tpu.memory_space<hbm>> -> memref<10000xf32, #tpu.memory_space<hbm>>
      tpu.wait_dma2 semaphore(%run_scoped3A : memref<!tpu.dma_semaphore, #tpu.memory_space<semaphore_mem>>) src(%dma_wait3A_20 : memref<10000xf32, #tpu.memory_space<hbm>>) dst(%arg9 : memref<10000xf32, #tpu.memory_space<vmem>>)
      tpu.yield
    }) : () -> ()
    %mul3A_3 = arith.constant 10000 : i32
    %mul3A_4 = arith.muli %rem3A_1, %mul3A_3 : i32
    "tpu.region"() ({
      %run_scoped3A = tpu.sem_alloc : memref<!tpu.dma_semaphore, #tpu.memory_space<semaphore_mem>>
      %dma_start3A = tpu.memref_slice %arg4[%mul3A_4] : memref<40000xi32, #tpu.memory_space<hbm>> -> memref<10000xi32, #tpu.memory_space<hbm>>
      %dma_start3A_15 = tpu.memref_slice %arg4[%mul3A_4] : memref<40000xi32, #tpu.memory_space<hbm>> -> memref<10000xi32, #tpu.memory_space<hbm>>
      tpu.enqueue_dma source(%dma_start3A_15 : memref<10000xi32, #tpu.memory_space<hbm>>) target(%arg10 : memref<10000xi32, #tpu.memory_space<vmem>>) target_semaphore(%run_scoped3A : memref<!tpu.dma_semaphore, #tpu.memory_space<semaphore_mem>>)
      %dma_wait3A = tpu.memref_slice %arg4[%mul3A_4] : memref<40000xi32, #tpu.memory_space<hbm>> -> memref<10000xi32, #tpu.memory_space<hbm>>
      %dma_wait3A_16 = tpu.memref_slice %arg4[%mul3A_4] : memref<40000xi32, #tpu.memory_space<hbm>> -> memref<10000xi32, #tpu.memory_space<hbm>>
      tpu.wait_dma2 semaphore(%run_scoped3A : memref<!tpu.dma_semaphore, #tpu.memory_space<semaphore_mem>>) src(%dma_wait3A_16 : memref<10000xi32, #tpu.memory_space<hbm>>) dst(%arg10 : memref<10000xi32, #tpu.memory_space<vmem>>)
      tpu.yield
    }) : () -> ()
    %mul3A_5 = arith.constant 40000 : i32
    %mul3A_6 = arith.muli %div3A_2, %mul3A_5 : i32
    %broadcast_in_dim3A = arith.constant 10 : i32
    %broadcast_in_dim3A_7 = vector.broadcast %broadcast_in_dim3A : i32 to vector<16xi32>
    %scan3A = arith.constant 0 : i32
    %scan3A_8 = arith.constant 0 : i32
    %scan3A_9 = arith.constant 20 : i32
    %scan3A_10 = arith.addi %scan3A_8, %scan3A_9 : i32
    %scan3A_11 = arith.constant 1 : i32
    scf.for %scan3A_15 = %scan3A_8 to %scan3A_10 step %scan3A_11  : i32 {
      %mul3A_16 = arith.constant 2000 : i32
      %mul3A_17 = arith.muli %scan3A_15, %mul3A_16 : i32
      %add3A_18 = arith.addi %mul3A_6, %mul3A_17 : i32
      "tpu.region"() ({
        %run_scoped3A = tpu.sem_alloc : memref<!tpu.dma_semaphore, #tpu.memory_space<semaphore_mem>>
        %dma_start3A = tpu.memref_slice %arg2[%add3A_18] : memref<320000xi32, #tpu.memory_space<hbm>> -> memref<2000xi32, #tpu.memory_space<hbm>>
        %dma_start3A_24 = tpu.memref_slice %arg2[%add3A_18] : memref<320000xi32, #tpu.memory_space<hbm>> -> memref<2000xi32, #tpu.memory_space<hbm>>
        tpu.enqueue_dma source(%dma_start3A_24 : memref<2000xi32, #tpu.memory_space<hbm>>) target(%arg11 : memref<2000xi32, #tpu.memory_space<vmem>>) target_semaphore(%run_scoped3A : memref<!tpu.dma_semaphore, #tpu.memory_space<semaphore_mem>>)
        %dma_wait3A = tpu.memref_slice %arg2[%add3A_18] : memref<320000xi32, #tpu.memory_space<hbm>> -> memref<2000xi32, #tpu.memory_space<hbm>>
        %dma_wait3A_25 = tpu.memref_slice %arg2[%add3A_18] : memref<320000xi32, #tpu.memory_space<hbm>> -> memref<2000xi32, #tpu.memory_space<hbm>>
        tpu.wait_dma2 semaphore(%run_scoped3A : memref<!tpu.dma_semaphore, #tpu.memory_space<semaphore_mem>>) src(%dma_wait3A_25 : memref<2000xi32, #tpu.memory_space<hbm>>) dst(%arg11 : memref<2000xi32, #tpu.memory_space<vmem>>)
        tpu.yield
      }) : () -> ()
      "tpu.region"() ({
        %run_scoped3A = tpu.sem_alloc : memref<!tpu.dma_semaphore, #tpu.memory_space<semaphore_mem>>
        %dma_start3A = tpu.memref_slice %arg3[%add3A_18] : memref<320000xi32, #tpu.memory_space<hbm>> -> memref<2000xi32, #tpu.memory_space<hbm>>
        %dma_start3A_24 = tpu.memref_slice %arg3[%add3A_18] : memref<320000xi32, #tpu.memory_space<hbm>> -> memref<2000xi32, #tpu.memory_space<hbm>>
        tpu.enqueue_dma source(%dma_start3A_24 : memref<2000xi32, #tpu.memory_space<hbm>>) target(%arg12 : memref<2000xi32, #tpu.memory_space<vmem>>) target_semaphore(%run_scoped3A : memref<!tpu.dma_semaphore, #tpu.memory_space<semaphore_mem>>)
        %dma_wait3A = tpu.memref_slice %arg3[%add3A_18] : memref<320000xi32, #tpu.memory_space<hbm>> -> memref<2000xi32, #tpu.memory_space<hbm>>
        %dma_wait3A_25 = tpu.memref_slice %arg3[%add3A_18] : memref<320000xi32, #tpu.memory_space<hbm>> -> memref<2000xi32, #tpu.memory_space<hbm>>
        tpu.wait_dma2 semaphore(%run_scoped3A : memref<!tpu.dma_semaphore, #tpu.memory_space<semaphore_mem>>) src(%dma_wait3A_25 : memref<2000xi32, #tpu.memory_space<hbm>>) dst(%arg12 : memref<2000xi32, #tpu.memory_space<vmem>>)
        tpu.yield
      }) : () -> ()
      %scan3A_19 = arith.constant 0 : i32
      %scan3A_20 = arith.constant 125 : i32
      %scan3A_21 = arith.addi %scan3A_19, %scan3A_20 : i32
      %scan3A_22 = arith.constant 1 : i32
      scf.for %scan3A_24 = %scan3A_19 to %scan3A_21 step %scan3A_22  : i32 {
        %mul3A_25 = arith.constant 16 : i32
        %mul3A_26 = arith.muli %scan3A_24, %mul3A_25 : i32
        %get3A = arith.index_cast %mul3A_26 : i32 to index
        %get3A_27 = tpu.vector_load %arg11[%get3A] {strides = array<i32>} : memref<2000xi32, #tpu.memory_space<vmem>>, vector<16xi32>,
        %mul3A_28 = arith.constant 16 : i32
        %mul3A_29 = arith.muli %scan3A_24, %mul3A_28 : i32
        %get3A_30 = arith.index_cast %mul3A_29 : i32 to index
        %get3A_31 = tpu.vector_load %arg12[%get3A_30] {strides = array<i32>} : memref<2000xi32, #tpu.memory_space<vmem>>, vector<16xi32>,
        %gather3A = tpu.vector_load_idx %arg9[%get3A_27] : memref<10000xf32, #tpu.memory_space<vmem>>[vector<16xi32>], vector<16xf32>,
        %gather3A_32 = tpu.vector_load_idx %arg10[%get3A_27] : memref<10000xi32, #tpu.memory_space<vmem>>[vector<16xi32>], vector<16xi32>,
        %mul3A_33 = arith.muli %get3A_31, %broadcast_in_dim3A_7 : vector<16xi32>
        %add3A_34 = arith.addi %mul3A_33, %gather3A_32 : vector<16xi32>
        tpu.vector_store_idx %arg8[%add3A_34], %gather3A {add = true} : memref<100000xf32, #tpu.memory_space<vmem>>[vector<16xi32>], vector<16xf32>,
      }
      %scan3A_23 = arith.constant 125 : i32
    }
    %scan3A_12 = arith.constant 20 : i32
    %mul3A_13 = arith.constant 100000 : i32
    %mul3A_14 = arith.muli %add3A, %mul3A_13 : i32
    "tpu.region"() ({
      %run_scoped3A = tpu.sem_alloc : memref<!tpu.dma_semaphore, #tpu.memory_space<semaphore_mem>>
      %dma_start3A = tpu.memref_slice %arg7[%mul3A_14] : memref<3200000xf32, #tpu.memory_space<hbm>> -> memref<100000xf32, #tpu.memory_space<hbm>>
      %dma_start3A_15 = tpu.memref_slice %arg7[%mul3A_14] : memref<3200000xf32, #tpu.memory_space<hbm>> -> memref<100000xf32, #tpu.memory_space<hbm>>
      tpu.enqueue_dma source(%arg8 : memref<100000xf32, #tpu.memory_space<vmem>>) target(%dma_start3A_15 : memref<100000xf32, #tpu.memory_space<hbm>>) target_semaphore(%run_scoped3A : memref<!tpu.dma_semaphore, #tpu.memory_space<semaphore_mem>>)
      %dma_wait3A = tpu.memref_slice %arg7[%mul3A_14] : memref<3200000xf32, #tpu.memory_space<hbm>> -> memref<100000xf32, #tpu.memory_space<hbm>>
      %dma_wait3A_16 = tpu.memref_slice %arg7[%mul3A_14] : memref<3200000xf32, #tpu.memory_space<hbm>> -> memref<100000xf32, #tpu.memory_space<hbm>>
      tpu.wait_dma2 semaphore(%run_scoped3A : memref<!tpu.dma_semaphore, #tpu.memory_space<semaphore_mem>>) src(%arg8 : memref<100000xf32, #tpu.memory_space<vmem>>) dst(%dma_wait3A_16 : memref<100000xf32, #tpu.memory_space<hbm>>)
      tpu.yield
    }) : () -> ()
    return
  }
}

#map = affine_map<(d0, d1) -> (0)>
module attributes {stable_mosaic.version = 14 : i64} {
  func.func @_deg_kernel(%arg0: i32, %arg1: i32, %arg2: memref<320000xi32, #tpu.memory_space<hbm>>, %arg3: memref<100000xf32, #tpu.memory_space<hbm>>, %arg4: memref<320000xf32, #tpu.memory_space<hbm>>, %arg5: memref<10000xf32, #tpu.memory_space<vmem>>, %arg6: memref<2000xi32, #tpu.memory_space<vmem>>) attributes {dimension_semantics = [#tpu.dimension_semantics<core_parallel>, #tpu.dimension_semantics<subcore_parallel>], iteration_bounds = array<i64: 2, 16>, scalar_prefetch = 0 : i64, scratch_operands = 2 : i64, tpu.core_type = #tpu.core_type<sc_vector_subcore>, window_params = [{transform_indices = #map}, {transform_indices = #map}, {transform_indices = #map}]} {
    %mul3A = arith.constant 2 : i32
    %mul3A_0 = arith.muli %arg1, %mul3A : i32
    %add3A = arith.addi %mul3A_0, %arg0 : i32
    "tpu.region"() ({
      %run_scoped3A = tpu.sem_alloc : memref<!tpu.dma_semaphore, #tpu.memory_space<semaphore_mem>>
      %dma_start3A = arith.constant 0 : i32
      %dma_start3A_11 = tpu.memref_slice %arg3[%dma_start3A] : memref<100000xf32, #tpu.memory_space<hbm>> -> memref<10000xf32, #tpu.memory_space<hbm>>
      %dma_start3A_12 = arith.constant 0 : i32
      %dma_start3A_13 = tpu.memref_slice %arg3[%dma_start3A_12] : memref<100000xf32, #tpu.memory_space<hbm>> -> memref<10000xf32, #tpu.memory_space<hbm>>
      tpu.enqueue_dma source(%dma_start3A_13 : memref<10000xf32, #tpu.memory_space<hbm>>) target(%arg5 : memref<10000xf32, #tpu.memory_space<vmem>>) target_semaphore(%run_scoped3A : memref<!tpu.dma_semaphore, #tpu.memory_space<semaphore_mem>>)
      %dma_wait3A = arith.constant 0 : i32
      %dma_wait3A_14 = tpu.memref_slice %arg3[%dma_wait3A] : memref<100000xf32, #tpu.memory_space<hbm>> -> memref<10000xf32, #tpu.memory_space<hbm>>
      %dma_wait3A_15 = arith.constant 0 : i32
      %dma_wait3A_16 = tpu.memref_slice %arg3[%dma_wait3A_15] : memref<100000xf32, #tpu.memory_space<hbm>> -> memref<10000xf32, #tpu.memory_space<hbm>>
      tpu.wait_dma2 semaphore(%run_scoped3A : memref<!tpu.dma_semaphore, #tpu.memory_space<semaphore_mem>>) src(%dma_wait3A_16 : memref<10000xf32, #tpu.memory_space<hbm>>) dst(%arg5 : memref<10000xf32, #tpu.memory_space<vmem>>)
      tpu.yield
    }) : () -> ()
    %broadcast_in_dim3A = arith.constant 1.000000e+00 : f32
    %broadcast_in_dim3A_1 = vector.broadcast %broadcast_in_dim3A : f32 to vector<16xf32>
    %mul3A_2 = arith.constant 10000 : i32
    %mul3A_3 = arith.muli %add3A, %mul3A_2 : i32
    %scan3A = arith.constant 0 : i32
    %scan3A_4 = arith.constant 0 : i32
    %scan3A_5 = arith.constant 5 : i32
    %scan3A_6 = arith.addi %scan3A_4, %scan3A_5 : i32
    %scan3A_7 = arith.constant 1 : i32
    scf.for %scan3A_11 = %scan3A_4 to %scan3A_6 step %scan3A_7  : i32 {
      %mul3A_12 = arith.constant 2000 : i32
      %mul3A_13 = arith.muli %scan3A_11, %mul3A_12 : i32
      %add3A_14 = arith.addi %mul3A_3, %mul3A_13 : i32
      "tpu.region"() ({
        %run_scoped3A = tpu.sem_alloc : memref<!tpu.dma_semaphore, #tpu.memory_space<semaphore_mem>>
        %dma_start3A = tpu.memref_slice %arg2[%add3A_14] : memref<320000xi32, #tpu.memory_space<hbm>> -> memref<2000xi32, #tpu.memory_space<hbm>>
        %dma_start3A_20 = tpu.memref_slice %arg2[%add3A_14] : memref<320000xi32, #tpu.memory_space<hbm>> -> memref<2000xi32, #tpu.memory_space<hbm>>
        tpu.enqueue_dma source(%dma_start3A_20 : memref<2000xi32, #tpu.memory_space<hbm>>) target(%arg6 : memref<2000xi32, #tpu.memory_space<vmem>>) target_semaphore(%run_scoped3A : memref<!tpu.dma_semaphore, #tpu.memory_space<semaphore_mem>>)
        %dma_wait3A = tpu.memref_slice %arg2[%add3A_14] : memref<320000xi32, #tpu.memory_space<hbm>> -> memref<2000xi32, #tpu.memory_space<hbm>>
        %dma_wait3A_21 = tpu.memref_slice %arg2[%add3A_14] : memref<320000xi32, #tpu.memory_space<hbm>> -> memref<2000xi32, #tpu.memory_space<hbm>>
        tpu.wait_dma2 semaphore(%run_scoped3A : memref<!tpu.dma_semaphore, #tpu.memory_space<semaphore_mem>>) src(%dma_wait3A_21 : memref<2000xi32, #tpu.memory_space<hbm>>) dst(%arg6 : memref<2000xi32, #tpu.memory_space<vmem>>)
        tpu.yield
      }) : () -> ()
      %scan3A_15 = arith.constant 0 : i32
      %scan3A_16 = arith.constant 125 : i32
      %scan3A_17 = arith.addi %scan3A_15, %scan3A_16 : i32
      %scan3A_18 = arith.constant 1 : i32
      scf.for %scan3A_20 = %scan3A_15 to %scan3A_17 step %scan3A_18  : i32 {
        %mul3A_21 = arith.constant 16 : i32
        %mul3A_22 = arith.muli %scan3A_20, %mul3A_21 : i32
        %get3A = arith.index_cast %mul3A_22 : i32 to index
        %get3A_23 = tpu.vector_load %arg6[%get3A] {strides = array<i32>} : memref<2000xi32, #tpu.memory_space<vmem>>, vector<16xi32>,
        tpu.vector_store_idx %arg5[%get3A_23], %broadcast_in_dim3A_1 {add = true} : memref<10000xf32, #tpu.memory_space<vmem>>[vector<16xi32>], vector<16xf32>,
      }
      %scan3A_19 = arith.constant 125 : i32
    }
    %scan3A_8 = arith.constant 5 : i32
    %mul3A_9 = arith.constant 10000 : i32
    %mul3A_10 = arith.muli %add3A, %mul3A_9 : i32
    "tpu.region"() ({
      %run_scoped3A = tpu.sem_alloc : memref<!tpu.dma_semaphore, #tpu.memory_space<semaphore_mem>>
      %dma_start3A = tpu.memref_slice %arg4[%mul3A_10] : memref<320000xf32, #tpu.memory_space<hbm>> -> memref<10000xf32, #tpu.memory_space<hbm>>
      %dma_start3A_11 = tpu.memref_slice %arg4[%mul3A_10] : memref<320000xf32, #tpu.memory_space<hbm>> -> memref<10000xf32, #tpu.memory_space<hbm>>
      tpu.enqueue_dma source(%arg5 : memref<10000xf32, #tpu.memory_space<vmem>>) target(%dma_start3A_11 : memref<10000xf32, #tpu.memory_space<hbm>>) target_semaphore(%run_scoped3A : memref<!tpu.dma_semaphore, #tpu.memory_space<semaphore_mem>>)
      %dma_wait3A = tpu.memref_slice %arg4[%mul3A_10] : memref<320000xf32, #tpu.memory_space<hbm>> -> memref<10000xf32, #tpu.memory_space<hbm>>
      %dma_wait3A_12 = tpu.memref_slice %arg4[%mul3A_10] : memref<320000xf32, #tpu.memory_space<hbm>> -> memref<10000xf32, #tpu.memory_space<hbm>>
      tpu.wait_dma2 semaphore(%run_scoped3A : memref<!tpu.dma_semaphore, #tpu.memory_space<semaphore_mem>>) src(%arg5 : memref<10000xf32, #tpu.memory_space<vmem>>) dst(%dma_wait3A_12 : memref<10000xf32, #tpu.memory_space<hbm>>)
      tpu.yield
    }) : () -> ()
    return
  }
}

module attributes {stable_mosaic.version = 14 : i64} {
  func.func @_norm_body(%arg0: memref<32x10000xf32, #tpu.memory_space<vmem>>, %arg1: memref<10000xf32, #tpu.memory_space<vmem>>, %arg2: memref<10000xf32, #tpu.memory_space<vmem>>) attributes {dimension_semantics = [], scalar_prefetch = 0 : i64, scratch_operands = 0 : i64, tpu.core_type = #tpu.core_type<tc>} {
    %get3A = arith.constant 0 : index
    %get3A_0 = arith.constant 0 : index
    %get3A_1 = vector.load %arg0[%get3A, %get3A_0] : memref<32x10000xf32, #tpu.memory_space<vmem>>, vector<32x10000xf32>
    %reduce_sum3A = arith.constant dense<0.000000e+00> : vector<10000xf32>
    %reduce_sum3A_2 = vector.multi_reduction <add>, %get3A_1, %reduce_sum3A [0] : vector<32x10000xf32> to vector<10000xf32>
    %add3A = arith.constant 1.000000e+00 : f32
    %add3A_3 = vector.broadcast %add3A : f32 to vector<10000xf32>
    %add3A_4 = arith.addf %reduce_sum3A_2, %add3A_3 : vector<10000xf32>
    %rsqrt3A = math.rsqrt %add3A_4 : vector<10000xf32>
    %swap3A = arith.constant 0 : index
    %swap3A_5 = vector.load %arg1[%swap3A] : memref<10000xf32, #tpu.memory_space<vmem>>, vector<10000xf32>
    tpu.vector_store %arg1[%swap3A], %rsqrt3A {strides = array<i32>} : memref<10000xf32, #tpu.memory_space<vmem>>, vector<10000xf32>,
    %div3A = arith.constant 1.000000e+00 : f32
    %div3A_6 = vector.broadcast %div3A : f32 to vector<10000xf32>
    %div3A_7 = arith.divf %div3A_6, %add3A_4 : vector<10000xf32>
    %swap3A_8 = arith.constant 0 : index
    %swap3A_9 = vector.load %arg2[%swap3A_8] : memref<10000xf32, #tpu.memory_space<vmem>>, vector<10000xf32>
    tpu.vector_store %arg2[%swap3A_8], %div3A_7 {strides = array<i32>} : memref<10000xf32, #tpu.memory_space<vmem>>, vector<10000xf32>,
    return
  }
}

module attributes {stable_mosaic.version = 14 : i64} {
  func.func @_head_body(%arg0: i32, %arg1: memref<8x1x2000x10xf32, #tpu.memory_space<vmem>>, %arg2: memref<1x1x2000xi32, #tpu.memory_space<vmem>>, %arg3: memref<1x1x2000xf32, #tpu.memory_space<vmem>>, %arg4: memref<1x1x2000xf32, #tpu.memory_space<vmem>>, %arg5: memref<10x10xf32, #tpu.memory_space<vmem>>, %arg6: memref<10x32xf32, #tpu.memory_space<vmem>>, %arg7: memref<32xf32, #tpu.memory_space<vmem>>, %arg8: memref<10x32xf32, #tpu.memory_space<vmem>>, %arg9: memref<32xf32, #tpu.memory_space<vmem>>, %arg10: memref<64x32xf32, #tpu.memory_space<vmem>>, %arg11: memref<32xf32, #tpu.memory_space<vmem>>, %arg12: memref<64x32xf32, #tpu.memory_space<vmem>>, %arg13: memref<32xf32, #tpu.memory_space<vmem>>, %arg14: memref<32x40xf32, #tpu.memory_space<vmem>>, %arg15: memref<40xf32, #tpu.memory_space<vmem>>, %arg16: memref<2000x40xf32, #tpu.memory_space<vmem>>) attributes {dimension_semantics = [#tpu.dimension_semantics<arbitrary>], iteration_bounds = array<i64: 20>, scalar_prefetch = 0 : i64, scratch_operands = 0 : i64, tpu.core_type = #tpu.core_type<tc>, window_params = [{transform_indices = @transform_0, window_bounds = array<i64: 8, 1, 2000, 10>}, {transform_indices = @transform_1, window_bounds = array<i64: 1, 1, 2000>}, {transform_indices = @transform_2, window_bounds = array<i64: 1, 1, 2000>}, {transform_indices = @transform_3, window_bounds = array<i64: 1, 1, 2000>}, {pipeline_mode = #tpu.pipeline_mode<synchronous>, transform_indices = @transform_4, window_bounds = array<i64: 10, 10>}, {pipeline_mode = #tpu.pipeline_mode<synchronous>, transform_indices = @transform_5, window_bounds = array<i64: 10, 32>}, {pipeline_mode = #tpu.pipeline_mode<synchronous>, transform_indices = @transform_6, window_bounds = array<i64: 32>}, {pipeline_mode = #tpu.pipeline_mode<synchronous>, transform_indices = @transform_7, window_bounds = array<i64: 10, 32>}, {pipeline_mode = #tpu.pipeline_mode<synchronous>, transform_indices = @transform_8, window_bounds = array<i64: 32>}, {pipeline_mode = #tpu.pipeline_mode<synchronous>, transform_indices = @transform_9, window_bounds = array<i64: 64, 32>}, {pipeline_mode = #tpu.pipeline_mode<synchronous>, transform_indices = @transform_10, window_bounds = array<i64: 32>}, {pipeline_mode = #tpu.pipeline_mode<synchronous>, transform_indices = @transform_11, window_bounds = array<i64: 64, 32>}, {pipeline_mode = #tpu.pipeline_mode<synchronous>, transform_indices = @transform_12, window_bounds = array<i64: 32>}, {pipeline_mode = #tpu.pipeline_mode<synchronous>, transform_indices = @transform_13, window_bounds = array<i64: 32, 40>}, {pipeline_mode = #tpu.pipeline_mode<synchronous>, transform_indices = @transform_14, window_bounds = array<i64: 40>}, {transform_indices = @transform_15, window_bounds = array<i64: 2000, 40>}]} {
    %get3A = arith.constant 0 : index
    %get3A_0 = arith.constant 0 : index
    %get3A_1 = arith.constant 0 : index
    %get3A_2 = arith.constant 0 : index
    %get3A_3 = vector.load %arg1[%get3A, %get3A_0, %get3A_1, %get3A_2] : memref<8x1x2000x10xf32, #tpu.memory_space<vmem>>, vector<8x1x2000x10xf32>
    %reshape3A = vector.shape_cast %get3A_3 : vector<8x1x2000x10xf32> to vector<8x2000x10xf32>
    %reduce_sum3A = arith.constant dense<0.000000e+00> : vector<2000x10xf32>
    %reduce_sum3A_4 = vector.multi_reduction <add>, %reshape3A, %reduce_sum3A [0] : vector<8x2000x10xf32> to vector<2000x10xf32>
    %get3A_5 = arith.constant 0 : index
    %get3A_6 = arith.constant 0 : index
    %get3A_7 = arith.constant 0 : index
    %get3A_8 = vector.load %arg3[%get3A_5, %get3A_6, %get3A_7] : memref<1x1x2000xf32, #tpu.memory_space<vmem>>, vector<1x1x2000xf32>
    %reshape3A_9 = vector.shape_cast %get3A_8 : vector<1x1x2000xf32> to vector<2000xf32>
    %broadcast_in_dim3A = vector.shape_cast %reshape3A_9 : vector<2000xf32> to vector<2000x1xf32>
    %mul3A = vector.broadcast %broadcast_in_dim3A : vector<2000x1xf32> to vector<2000x10xf32>
    %mul3A_10 = arith.mulf %reduce_sum3A_4, %mul3A : vector<2000x10xf32>
    %get3A_11 = arith.constant 0 : index
    %get3A_12 = arith.constant 0 : index
    %get3A_13 = arith.constant 0 : index
    %get3A_14 = vector.load %arg2[%get3A_11, %get3A_12, %get3A_13] : memref<1x1x2000xi32, #tpu.memory_space<vmem>>, vector<1x1x2000xi32>
    %reshape3A_15 = vector.shape_cast %get3A_14 : vector<1x1x2000xi32> to vector<2000xi32>
    %iota3A = tpu.iota {dimensions = array<i32: 1>} : vector<2000x10xi32>
    %broadcast_in_dim3A_16 = vector.shape_cast %reshape3A_15 : vector<2000xi32> to vector<2000x1xi32>
    %eq3A = vector.broadcast %broadcast_in_dim3A_16 : vector<2000x1xi32> to vector<2000x10xi32>
    %eq3A_17 = arith.cmpi eq, %iota3A, %eq3A : vector<2000x10xi32>
    %get3A_18 = arith.constant 0 : index
    %get3A_19 = arith.constant 0 : index
    %get3A_20 = arith.constant 0 : index
    %get3A_21 = vector.load %arg4[%get3A_18, %get3A_19, %get3A_20] : memref<1x1x2000xf32, #tpu.memory_space<vmem>>, vector<1x1x2000xf32>
    %reshape3A_22 = vector.shape_cast %get3A_21 : vector<1x1x2000xf32> to vector<2000xf32>
    %broadcast_in_dim3A_23 = vector.shape_cast %reshape3A_22 : vector<2000xf32> to vector<2000x1xf32>
    %jit3A = arith.constant 0.000000e+00 : f32
    %broadcast_in_dim3A_24 = vector.shape_cast %broadcast_in_dim3A_23 : vector<2000x1xf32> to vector<2000x1xf32>
    %broadcast_in_dim3A_25 = vector.broadcast %broadcast_in_dim3A_24 : vector<2000x1xf32> to vector<2000x10xf32>
    %broadcast_in_dim3A_26 = vector.broadcast %jit3A : f32 to vector<2000x10xf32>
    %select_n3A = arith.select %eq3A_17, %broadcast_in_dim3A_25, %broadcast_in_dim3A_26 : vector<2000x10xi1>, vector<2000x10xf32>
    %add3A = arith.addf %mul3A_10, %select_n3A : vector<2000x10xf32>
    %get3A_27 = arith.constant 0 : index
    %get3A_28 = arith.constant 0 : index
    %get3A_29 = vector.load %arg10[%get3A_27, %get3A_28] : memref<64x32xf32, #tpu.memory_space<vmem>>, vector<64x32xf32>
    %slice3A = vector.extract_strided_slice %get3A_29 {offsets = [0, 0], sizes = [32, 32], strides = [1, 1]} : vector<64x32xf32> to vector<32x32xf32>
    %get3A_30 = arith.constant 0 : index
    %get3A_31 = arith.constant 0 : index
    %get3A_32 = vector.load %arg12[%get3A_30, %get3A_31] : memref<64x32xf32, #tpu.memory_space<vmem>>, vector<64x32xf32>
    %slice3A_33 = vector.extract_strided_slice %get3A_32 {offsets = [0, 0], sizes = [32, 32], strides = [1, 1]} : vector<64x32xf32> to vector<32x32xf32>
    %get3A_34 = arith.constant 0 : index
    %get3A_35 = arith.constant 0 : index
    %get3A_36 = vector.load %arg5[%get3A_34, %get3A_35] : memref<10x10xf32, #tpu.memory_space<vmem>>, vector<10x10xf32>
    %get3A_37 = arith.constant 0 : index
    %get3A_38 = arith.constant 0 : index
    %get3A_39 = vector.load %arg6[%get3A_37, %get3A_38] : memref<10x32xf32, #tpu.memory_space<vmem>>, vector<10x32xf32>
    %dot_general3A = arith.constant dense<0.000000e+00> : vector<10x32xf32>
    %dot_general3A_40 = tpu.matmul %get3A_36, %get3A_39, %dot_general3A {dimension_numbers = #tpu.dot_dimension_numbers<[1], [0], [0], [1], [0, 0, 1, 1], [], []>, transpose_lhs_hint = false} : vector<10x10xf32>, vector<10x32xf32>, vector<10x32xf32> -> vector<10x32xf32>
    %dot_general3A_41 = arith.constant dense<0.000000e+00> : vector<10x32xf32>
    %dot_general3A_42 = tpu.matmul %dot_general3A_40, %slice3A, %dot_general3A_41 {dimension_numbers = #tpu.dot_dimension_numbers<[1], [0], [0], [1], [0, 0, 1, 1], [], []>, transpose_lhs_hint = false} : vector<10x32xf32>, vector<32x32xf32>, vector<10x32xf32> -> vector<10x32xf32>
    %get3A_43 = arith.constant 0 : index
    %get3A_44 = arith.constant 0 : index
    %get3A_45 = vector.load %arg5[%get3A_43, %get3A_44] : memref<10x10xf32, #tpu.memory_space<vmem>>, vector<10x10xf32>
    %get3A_46 = arith.constant 0 : index
    %get3A_47 = arith.constant 0 : index
    %get3A_48 = vector.load %arg8[%get3A_46, %get3A_47] : memref<10x32xf32, #tpu.memory_space<vmem>>, vector<10x32xf32>
    %dot_general3A_49 = arith.constant dense<0.000000e+00> : vector<10x32xf32>
    %dot_general3A_50 = tpu.matmul %get3A_45, %get3A_48, %dot_general3A_49 {dimension_numbers = #tpu.dot_dimension_numbers<[1], [0], [0], [1], [0, 0, 1, 1], [], []>, transpose_lhs_hint = false} : vector<10x10xf32>, vector<10x32xf32>, vector<10x32xf32> -> vector<10x32xf32>
    %dot_general3A_51 = arith.constant dense<0.000000e+00> : vector<10x32xf32>
    %dot_general3A_52 = tpu.matmul %dot_general3A_50, %slice3A_33, %dot_general3A_51 {dimension_numbers = #tpu.dot_dimension_numbers<[1], [0], [0], [1], [0, 0, 1, 1], [], []>, transpose_lhs_hint = false} : vector<10x32xf32>, vector<32x32xf32>, vector<10x32xf32> -> vector<10x32xf32>
    %get3A_53 = arith.constant 0 : index
    %get3A_54 = vector.load %arg7[%get3A_53] : memref<32xf32, #tpu.memory_space<vmem>>, vector<32xf32>
    %broadcast_in_dim3A_55 = vector.shape_cast %get3A_54 : vector<32xf32> to vector<1x32xf32>
    %dot_general3A_56 = arith.constant dense<0.000000e+00> : vector<1x32xf32>
    %dot_general3A_57 = tpu.matmul %broadcast_in_dim3A_55, %slice3A, %dot_general3A_56 {dimension_numbers = #tpu.dot_dimension_numbers<[1], [0], [0], [1], [0, 0, 1, 1], [], []>, transpose_lhs_hint = false} : vector<1x32xf32>, vector<32x32xf32>, vector<1x32xf32> -> vector<1x32xf32>
    %get3A_58 = arith.constant 0 : index
    %get3A_59 = vector.load %arg11[%get3A_58] : memref<32xf32, #tpu.memory_space<vmem>>, vector<32xf32>
    %broadcast_in_dim3A_60 = vector.shape_cast %get3A_59 : vector<32xf32> to vector<1x32xf32>
    %add3A_61 = arith.addf %dot_general3A_57, %broadcast_in_dim3A_60 : vector<1x32xf32>
    %get3A_62 = arith.constant 0 : index
    %get3A_63 = vector.load %arg9[%get3A_62] : memref<32xf32, #tpu.memory_space<vmem>>, vector<32xf32>
    %broadcast_in_dim3A_64 = vector.shape_cast %get3A_63 : vector<32xf32> to vector<1x32xf32>
    %dot_general3A_65 = arith.constant dense<0.000000e+00> : vector<1x32xf32>
    %dot_general3A_66 = tpu.matmul %broadcast_in_dim3A_64, %slice3A_33, %dot_general3A_65 {dimension_numbers = #tpu.dot_dimension_numbers<[1], [0], [0], [1], [0, 0, 1, 1], [], []>, transpose_lhs_hint = false} : vector<1x32xf32>, vector<32x32xf32>, vector<1x32xf32> -> vector<1x32xf32>
    %get3A_67 = arith.constant 0 : index
    %get3A_68 = vector.load %arg13[%get3A_67] : memref<32xf32, #tpu.memory_space<vmem>>, vector<32xf32>
    %broadcast_in_dim3A_69 = vector.shape_cast %get3A_68 : vector<32xf32> to vector<1x32xf32>
    %add3A_70 = arith.addf %dot_general3A_66, %broadcast_in_dim3A_69 : vector<1x32xf32>
    %dot_general3A_71 = arith.constant dense<0.000000e+00> : vector<2000x32xf32>
    %dot_general3A_72 = tpu.matmul %add3A, %dot_general3A_42, %dot_general3A_71 {dimension_numbers = #tpu.dot_dimension_numbers<[1], [0], [0], [1], [0, 0, 1, 1], [], []>, transpose_lhs_hint = false} : vector<2000x10xf32>, vector<10x32xf32>, vector<2000x32xf32> -> vector<2000x32xf32>
    %add3A_73 = vector.broadcast %add3A_61 : vector<1x32xf32> to vector<2000x32xf32>
    %add3A_74 = arith.addf %dot_general3A_72, %add3A_73 : vector<2000x32xf32>
    %logistic3A = arith.negf %add3A_74 : vector<2000x32xf32>
    %logistic3A_75 = math.exp %logistic3A : vector<2000x32xf32>
    %logistic3A_76 = arith.constant 1.000000e+00 : f32
    %logistic3A_77 = vector.broadcast %logistic3A_76 : f32 to vector<2000x32xf32>
    %logistic3A_78 = arith.addf %logistic3A_77, %logistic3A_75 : vector<2000x32xf32>
    %logistic3A_79 = arith.divf %logistic3A_77, %logistic3A_78 : vector<2000x32xf32>
    %dot_general3A_80 = arith.constant dense<0.000000e+00> : vector<2000x32xf32>
    %dot_general3A_81 = tpu.matmul %add3A, %dot_general3A_52, %dot_general3A_80 {dimension_numbers = #tpu.dot_dimension_numbers<[1], [0], [0], [1], [0, 0, 1, 1], [], []>, transpose_lhs_hint = false} : vector<2000x10xf32>, vector<10x32xf32>, vector<2000x32xf32> -> vector<2000x32xf32>
    %add3A_82 = vector.broadcast %add3A_70 : vector<1x32xf32> to vector<2000x32xf32>
    %add3A_83 = arith.addf %dot_general3A_81, %add3A_82 : vector<2000x32xf32>
    %tanh3A = math.tanh %add3A_83 : vector<2000x32xf32>
    %sub3A = arith.constant 1.000000e+00 : f32
    %sub3A_84 = vector.broadcast %sub3A : f32 to vector<2000x32xf32>
    %sub3A_85 = arith.subf %sub3A_84, %logistic3A_79 : vector<2000x32xf32>
    %mul3A_86 = arith.mulf %sub3A_85, %tanh3A : vector<2000x32xf32>
    %max3A = arith.constant 0.000000e+00 : f32
    %max3A_87 = vector.broadcast %max3A : f32 to vector<2000x32xf32>
    %max3A_88 = arith.maximumf %mul3A_86, %max3A_87 : vector<2000x32xf32>
    %get3A_89 = arith.constant 0 : index
    %get3A_90 = arith.constant 0 : index
    %get3A_91 = vector.load %arg14[%get3A_89, %get3A_90] : memref<32x40xf32, #tpu.memory_space<vmem>>, vector<32x40xf32>
    %dot_general3A_92 = arith.constant dense<0.000000e+00> : vector<2000x40xf32>
    %dot_general3A_93 = tpu.matmul %max3A_88, %get3A_91, %dot_general3A_92 {dimension_numbers = #tpu.dot_dimension_numbers<[1], [0], [0], [1], [0, 0, 1, 1], [], []>, transpose_lhs_hint = false} : vector<2000x32xf32>, vector<32x40xf32>, vector<2000x40xf32> -> vector<2000x40xf32>
    %get3A_94 = arith.constant 0 : index
    %get3A_95 = vector.load %arg15[%get3A_94] : memref<40xf32, #tpu.memory_space<vmem>>, vector<40xf32>
    %broadcast_in_dim3A_96 = vector.shape_cast %get3A_95 : vector<40xf32> to vector<1x40xf32>
    %add3A_97 = vector.broadcast %broadcast_in_dim3A_96 : vector<1x40xf32> to vector<2000x40xf32>
    %add3A_98 = arith.addf %dot_general3A_93, %add3A_97 : vector<2000x40xf32>
    %reshape3A_99 = vector.shape_cast %add3A_98 : vector<2000x40xf32> to vector<2000x4x10xf32>
    %reduce_max3A = arith.constant dense<0xFF800000> : vector<2000x4xf32>
    %reduce_max3A_100 = vector.multi_reduction <maximumf>, %reshape3A_99, %reduce_max3A [2] : vector<2000x4x10xf32> to vector<2000x4xf32>
    %broadcast_in_dim3A_101 = vector.shape_cast %reduce_max3A_100 : vector<2000x4xf32> to vector<2000x4x1xf32>
    %sub3A_102 = vector.broadcast %broadcast_in_dim3A_101 : vector<2000x4x1xf32> to vector<2000x4x10xf32>
    %sub3A_103 = arith.subf %reshape3A_99, %sub3A_102 : vector<2000x4x10xf32>
    %exp3A = math.exp %sub3A_103 : vector<2000x4x10xf32>
    %reduce_sum3A_104 = arith.constant dense<0.000000e+00> : vector<2000x4xf32>
    %reduce_sum3A_105 = vector.multi_reduction <add>, %exp3A, %reduce_sum3A_104 [2] : vector<2000x4x10xf32> to vector<2000x4xf32>
    %broadcast_in_dim3A_106 = vector.shape_cast %reduce_sum3A_105 : vector<2000x4xf32> to vector<2000x4x1xf32>
    %div3A = vector.broadcast %broadcast_in_dim3A_106 : vector<2000x4x1xf32> to vector<2000x4x10xf32>
    %div3A_107 = arith.divf %exp3A, %div3A : vector<2000x4x10xf32>
    %reshape3A_108 = vector.shape_cast %div3A_107 : vector<2000x4x10xf32> to vector<2000x40xf32>
    %swap3A = arith.constant 0 : index
    %swap3A_109 = arith.constant 0 : index
    %swap3A_110 = vector.load %arg16[%swap3A, %swap3A_109] : memref<2000x40xf32, #tpu.memory_space<vmem>>, vector<2000x40xf32>
    tpu.vector_store %arg16[%swap3A, %swap3A_109], %reshape3A_108 {strides = array<i32>} : memref<2000x40xf32, #tpu.memory_space<vmem>>, vector<2000x40xf32>,
    return
  }
  func.func @transform_0(%arg0: i32) -> (i32, i32, i32, i32) {
    %c0_i32 = arith.constant 0 : i32
    %c0_i32_0 = arith.constant 0 : i32
    %c0_i32_1 = arith.constant 0 : i32
    %c0_i32_2 = arith.constant 0 : i32
    return %c0_i32, %arg0, %c0_i32_0, %c0_i32_1 : i32, i32, i32, i32
  }
  func.func @transform_1(%arg0: i32) -> (i32, i32, i32) {
    %c0_i32 = arith.constant 0 : i32
    %c0_i32_0 = arith.constant 0 : i32
    %c0_i32_1 = arith.constant 0 : i32
    return %arg0, %c0_i32, %c0_i32_0 : i32, i32, i32
  }
  func.func @transform_2(%arg0: i32) -> (i32, i32, i32) {
    %jit3A = arith.constant 5 : i32
    %eq3A = arith.constant 0 : i32
    %eq3A_0 = arith.cmpi eq, %jit3A, %eq3A : i32
    %jit3A_1 = arith.constant 1 : i32
    %select_n3A = arith.select %eq3A_0, %jit3A_1, %jit3A : i32
    %rem3A = arith.remsi %arg0, %select_n3A : i32
    %ne3A = arith.constant 0 : i32
    %ne3A_2 = arith.cmpi ne, %rem3A, %ne3A : i32
    %lt3A = arith.constant 0 : i32
    %lt3A_3 = arith.cmpi slt, %rem3A, %lt3A : i32
    %lt3A_4 = arith.constant 0 : i32
    %lt3A_5 = arith.cmpi slt, %select_n3A, %lt3A_4 : i32
    %ne3A_6 = arith.xori %lt3A_3, %lt3A_5 : i1
    %and3A = arith.andi %ne3A_6, %ne3A_2 : i1
    %add3A = arith.addi %rem3A, %select_n3A : i32
    %select_n3A_7 = arith.select %and3A, %add3A, %rem3A : i32
    %c0_i32 = arith.constant 0 : i32
    %c0_i32_8 = arith.constant 0 : i32
    %c0_i32_9 = arith.constant 0 : i32
    return %select_n3A_7, %c0_i32, %c0_i32_8 : i32, i32, i32
  }
  func.func @transform_3(%arg0: i32) -> (i32, i32, i32) {
    %jit3A = arith.constant 5 : i32
    %eq3A = arith.constant 0 : i32
    %eq3A_0 = arith.cmpi eq, %jit3A, %eq3A : i32
    %jit3A_1 = arith.constant 1 : i32
    %select_n3A = arith.select %eq3A_0, %jit3A_1, %jit3A : i32
    %rem3A = arith.remsi %arg0, %select_n3A : i32
    %ne3A = arith.constant 0 : i32
    %ne3A_2 = arith.cmpi ne, %rem3A, %ne3A : i32
    %lt3A = arith.constant 0 : i32
    %lt3A_3 = arith.cmpi slt, %rem3A, %lt3A : i32
    %lt3A_4 = arith.constant 0 : i32
    %lt3A_5 = arith.cmpi slt, %select_n3A, %lt3A_4 : i32
    %ne3A_6 = arith.xori %lt3A_3, %lt3A_5 : i1
    %and3A = arith.andi %ne3A_6, %ne3A_2 : i1
    %add3A = arith.addi %rem3A, %select_n3A : i32
    %select_n3A_7 = arith.select %and3A, %add3A, %rem3A : i32
    %c0_i32 = arith.constant 0 : i32
    %c0_i32_8 = arith.constant 0 : i32
    %c0_i32_9 = arith.constant 0 : i32
    return %select_n3A_7, %c0_i32, %c0_i32_8 : i32, i32, i32
  }
  func.func @transform_4(%arg0: i32) -> (i32, i32) {
    %c0_i32 = arith.constant 0 : i32
    %c0_i32_0 = arith.constant 0 : i32
    %c0_i32_1 = arith.constant 0 : i32
    return %c0_i32, %c0_i32_0 : i32, i32
  }
  func.func @transform_5(%arg0: i32) -> (i32, i32) {
    %c0_i32 = arith.constant 0 : i32
    %c0_i32_0 = arith.constant 0 : i32
    %c0_i32_1 = arith.constant 0 : i32
    return %c0_i32, %c0_i32_0 : i32, i32
  }
  func.func @transform_6(%arg0: i32) -> i32 {
    %c0_i32 = arith.constant 0 : i32
    %c0_i32_0 = arith.constant 0 : i32
    return %c0_i32 : i32
  }
  func.func @transform_7(%arg0: i32) -> (i32, i32) {
    %c0_i32 = arith.constant 0 : i32
    %c0_i32_0 = arith.constant 0 : i32
    %c0_i32_1 = arith.constant 0 : i32
    return %c0_i32, %c0_i32_0 : i32, i32
  }
  func.func @transform_8(%arg0: i32) -> i32 {
    %c0_i32 = arith.constant 0 : i32
    %c0_i32_0 = arith.constant 0 : i32
    return %c0_i32 : i32
  }
  func.func @transform_9(%arg0: i32) -> (i32, i32) {
    %c0_i32 = arith.constant 0 : i32
    %c0_i32_0 = arith.constant 0 : i32
    %c0_i32_1 = arith.constant 0 : i32
    return %c0_i32, %c0_i32_0 : i32, i32
  }
  func.func @transform_10(%arg0: i32) -> i32 {
    %c0_i32 = arith.constant 0 : i32
    %c0_i32_0 = arith.constant 0 : i32
    return %c0_i32 : i32
  }
  func.func @transform_11(%arg0: i32) -> (i32, i32) {
    %c0_i32 = arith.constant 0 : i32
    %c0_i32_0 = arith.constant 0 : i32
    %c0_i32_1 = arith.constant 0 : i32
    return %c0_i32, %c0_i32_0 : i32, i32
  }
  func.func @transform_12(%arg0: i32) -> i32 {
    %c0_i32 = arith.constant 0 : i32
    %c0_i32_0 = arith.constant 0 : i32
    return %c0_i32 : i32
  }
  func.func @transform_13(%arg0: i32) -> (i32, i32) {
    %c0_i32 = arith.constant 0 : i32
    %c0_i32_0 = arith.constant 0 : i32
    %c0_i32_1 = arith.constant 0 : i32
    return %c0_i32, %c0_i32_0 : i32, i32
  }
  func.func @transform_14(%arg0: i32) -> i32 {
    %c0_i32 = arith.constant 0 : i32
    %c0_i32_0 = arith.constant 0 : i32
    return %c0_i32 : i32
  }
  func.func @transform_15(%arg0: i32) -> (i32, i32) {
    %c0_i32 = arith.constant 0 : i32
    %c0_i32_0 = arith.constant 0 : i32
    return %arg0, %c0_i32 : i32, i32
  }
}

</mosaic_0001>

<sc_bundles>
// kernel: kernel.6.cloned.1.call-start
scs
__scs_entry_jumppad:
0x0: {  	(pc) =	sbr.rel $0x88, $3  }
0x1: {  	(tag) =	ssettag $0x0;
	lr =	simm.s32 $0x1  }
0x2: {  	[smem:$0x3F94] =	sst lr;
	_ =	strace $0xD0000000  }
0x3: {  	_ = 	snop  }
0x4: {  	_ = 	snop  }
0x5: {  	_ = 	snop  }
0x6: {  	_ = 	snop  }
0x7: {  	_ = 	snop  }
__scs_overlays_trampoline_lowered:
0x8: {  	[smem:$0x3FA3] =	sst s0  }
0x9: {  	[smem:$0x3FA4] =	sst s1  }
0xa: {  	[smem:$0x3FA5] =	sst s2  }
0xb: {  	[smem:$0x3FA6] =	sst s3  }
0xc: {  	[smem:$0x3FA7] =	sst s4  }
0xd: {  	[smem:$0x3FA8] =	sst s5  }
0xe: {  	[smem:$0x3FA9] =	sst s6  }
0xf: {  	[smem:$0x3FAA] =	sst s7  }
0x10: {  	[smem:$0x3FAB] =	sst s8  }
0x11: {  	[smem:$0x3FAC] =	sst s9;
	s0 =	simm.s32 @!p0 $0x0  }
0x12: {  	s1 =	sld [smem:$0x3F92];
	s0 =	simm.s32 @p0 $0x1  }
0x13: {  	[smem:$0x3FAD] =	sst s0;
	s0 =	simm.s32 @!p1 $0x0  }
0x14: {  	s2 =	sld [smem:$0x3F91];
	s0 =	simm.s32 @p1 $0x1  }
0x15: {  	[smem:$0x3FAE] =	sst s0;
	s0 =	simm.s32 @!p2 $0x0  }
0x16: {  	s3 =	sld [smem:$0x3FDB];
	s0 =	simm.s32 @p2 $0x1  }
0x17: {  	s4 =	simm.s32 $0x1BF5;
	[smem:$0x3FB0] =	sst s0  }
0x18: {  	s0 =	sld [smem:$0x3F93];
	_ =	swait.ge [sflag:s4], $0x0  }
0x19: {  	s7 =	sld [smem:$0x3F94]  }
0x1a: {  	s8 =	sadd.s32 $0xFFFFE003, lr  }
0x1b: {  	s9 =	sadd.s32 $0xFFFFFEF7, lr;
	s5 =	simm.s32 $0xFFFFFFFF;
	p2 =	slt.u32 s8, $0xFFFFF086  }
0x1c: {  	p1 =	slt.u32 s9, $0xF7A;
	s5 =	simm.s32 @!p2 $0x0  }
0x1d: {  	s5 =	simm.s32 @p1 $0x1;
	p0 =	seq.s32 s7, s2  }
0x1e: {  	s7 =	smul.u32 @!p0 $0xF7A, s2;
	p2 =	seq.s32 @!p0 s5, $0x0  }
0x1f: {  	s9 =	smul.u32 $0xF7A, s1;
	s8 =	simm.s32 @!p0 $0x1BF5;
	p2 =	por !p2, p0  }
0x20: {  	[sflag:s8] =	ssyncset.s32 @!p0 $0xFFFFF086;
	s6 =	sadd.s32 @!p0 s3, s7;
	s7 =	simm.s32 @!p0 $0x108  }
0x21: {  	s3 =	sadd.s32 s3, s9;
	s6 =	sadd.s32 @!p0 $0x88, s6;
	s7 =	simm.s32 @p2 $0x1082  }
0x22: {  	[simem:s7], [sflag:s8] =	dma.local @!p0 [hbm:s6], $0xF7A  }
0x23: {  	s9 =	sor.u32 $0xD0000000, s2;
	s6 =	simm.s32 $0x108;
	_ =	swait.ge @!p0 [sflag:s8], $0x0  }
0x24: {  	s3 =	sadd.s32 $0x88, s3;
	s6 =	simm.s32 @!p1 $0x1082;
	[sflag:s4] =	ssyncset.s32 $0xFFFFF086  }
0x25: {  	[simem:s6], [sflag:s4] =	dma.local [hbm:s3], $0xF7A  }
0x26: {  	[smem:$0x3F94] =	sst s1;
	(tag) =	ssettag s2;
	_ =	strace s9  }
0x27: {  	s1 =	sld [smem:$0x3FA4]  }
0x28: {  	s2 =	sld [smem:$0x3FA5]  }
0x29: {  	s4 =	sld [smem:$0x3FA7]  }
0x2a: {  	p0 =	seq.s32 s5, $0x0;
	s5 =	sld [smem:$0x3FA8]  }
0x2b: {  	s6 =	sld [smem:$0x3FA9]  }
0x2c: {  	s7 =	sld [smem:$0x3FAA]  }
0x2d: {  	s3 =	simm.s32 $0x108;
	s8 =	sld [smem:$0x3FAB]  }
0x2e: {  	s3 =	simm.s32 @!p0 $0x1082;
	s9 =	sld [smem:$0x3FAC]  }
0x2f: {  	lr =	sadd.s32 s0, s3;
	s0 =	sld [smem:$0x3FA3]  }
0x30: {  	s3 =	sld [smem:$0x3FA6]  }
0x31: {  	[smem:$0x3FAF] =	sst s10  }
0x32: {  	s10 =	sld [smem:$0x3FAD];
	_ =	sdelay $0x3  }
0x33: {  	p0 =	seq.s32 s10, $0x1;
	s10 =	sld [smem:$0x3FAF];
	_ =	sdelay $0x3  }
0x34: {  	[smem:$0x3FAF] =	sst s10  }
0x35: {  	s10 =	sld [smem:$0x3FAE];
	_ =	sdelay $0x3  }
0x36: {  	p1 =	seq.s32 s10, $0x1;
	s10 =	sld [smem:$0x3FAF];
	_ =	sdelay $0x3  }
0x37: {  	[smem:$0x3FAF] =	sst s10  }
0x38: {  	s10 =	sld [smem:$0x3FB0]  }
0x39: {  	_ = 	snop;
	(pc) =	sbr.ind lr, $3  }
0x3a: {  	_ = 	snop  }
0x3b: {  	_ = 	snop  }
0x3c: {  	p2 =	seq.s32 s10, $0x1;
	s10 =	sld [smem:$0x3FAF]  }
0x3d: {  	_ =	shalt  }
0x3e: {  	_ =	shalt  }
0x3f: {  	_ =	shalt  }
0x40: {  	_ =	shalt  }
0x41: {  	_ =	shalt  }
0x42: {  	_ =	shalt  }
0x43: {  	_ =	shalt  }
0x44: {  	_ =	shalt  }
0x45: {  	_ =	shalt  }
0x46: {  	_ =	shalt  }
0x47: {  	_ =	shalt  }
0x48: {  	_ =	shalt  }
0x49: {  	_ =	shalt  }
0x4a: {  	_ =	shalt  }
0x4b: {  	_ =	shalt  }
0x4c: {  	_ =	shalt  }
0x4d: {  	_ =	shalt  }
0x4e: {  	_ =	shalt  }
0x4f: {  	_ =	shalt  }
0x50: {  	_ =	shalt  }
0x51: {  	_ =	shalt  }
0x52: {  	_ =	shalt  }
0x53: {  	_ =	shalt  }
0x54: {  	_ =	shalt  }
0x55: {  	_ =	shalt  }
0x56: {  	_ =	shalt  }
0x57: {  	_ =	shalt  }
0x58: {  	_ =	shalt  }
0x59: {  	_ =	shalt  }
0x5a: {  	_ =	shalt  }
0x5b: {  	_ =	shalt  }
0x5c: {  	_ =	shalt  }
0x5d: {  	_ =	shalt  }
0x5e: {  	_ =	shalt  }
0x5f: {  	_ =	shalt  }
0x60: {  	_ =	shalt  }
0x61: {  	_ =	shalt  }
0x62: {  	_ =	shalt  }
0x63: {  	_ =	shalt  }
0x64: {  	_ =	shalt  }
0x65: {  	_ =	shalt  }
0x66: {  	_ =	shalt  }
0x67: {  	_ =	shalt  }
0x68: {  	_ =	shalt  }
0x69: {  	_ =	shalt  }
0x6a: {  	_ =	shalt  }
0x6b: {  	_ =	shalt  }
0x6c: {  	_ =	shalt  }
0x6d: {  	_ =	shalt  }
0x6e: {  	_ =	shalt  }
0x6f: {  	_ =	shalt  }
0x70: {  	_ =	shalt  }
0x71: {  	_ =	shalt  }
0x72: {  	_ =	shalt  }
0x73: {  	_ =	shalt  }
0x74: {  	_ =	shalt  }
0x75: {  	_ =	shalt  }
0x76: {  	_ =	shalt  }
0x77: {  	_ =	shalt  }
0x78: {  	_ =	shalt  }
0x79: {  	_ =	shalt  }
0x7a: {  	_ =	shalt  }
0x7b: {  	_ =	shalt  }
0x7c: {  	_ =	shalt  }
0x7d: {  	_ =	shalt  }
0x7e: {  	_ =	shalt  }
0x7f: {  	_ =	shalt  }
0x80: {  	_ =	shalt  }
0x81: {  	_ =	shalt  }
0x82: {  	_ =	shalt  }
0x83: {  	_ =	shalt  }
0x84: {  	_ =	shalt  }
0x85: {  	_ =	shalt  }
0x86: {  	_ =	shalt  }
0x87: {  	_ =	shalt  }
.Lfunc_end0:
.L_simem_size_0:
called_computation_lowered:
.L_overlay_start_0:
0x88: {  	s2 =	sld [smem:$0x3FD9]  }
0x89: {  	s3 =	sld [smem:$0x3FFE];
	_ =	sdelay $0x1  }
0x8a: {  	s1 =	srdreg.scid  }
0x8b: {  	s0 =	sand.u32 $0x1, s1  }
0x8c: {  	s17 =	sshll.u32 s0, $0xA;
	s2 =	sadd.s32 s3, s2  }
0x8d: {  	s2 =	sadd.s32 s2, s17  }
0x8e: {  	[smem:$0x3FBB] =	sst s2  }
0x8f: {  	_ = 	snop  }
0x90: {  	s2 =	sld [smem:$0x3FD0];
	(tm) =	ssettm $0x1  }
0x91: {  	s18 =	sld [smem:$0x3FFB];
	_ =	sdelay $0x3  }
0x92: {  	_ =	strace s18  }
0x93: {  	s3 =	sld [smem:$0x3FFC];
	_ =	sdelay $0x3  }
0x94: {  	_ =	strace s3  }
0x95: {  	s3 =	sld [smem:$0x3FFD];
	_ =	sdelay $0x3  }
0x96: {  	_ =	strace s3  }
0x97: {  	_ =	strace $0x8FFFFFFF  }
0x98: {  	s19 =	sld [smem:$0x3FDB];
	_ =	sdelay $0x1  }
0x99: {  	s4 =	simm.s32 $_scs_section_size  }
0x9a: {  	s5 =	simm.s32 $_size__tile_overlayer_lowered;
	s6 =	simm.s32 $_tile_overlayer_lowered  }
0x9b: {  	s22 =	simm.s32 $0x1BFF;
	s21 =	sshll.u32 s6, $0x1;
	s3 =	sadd.s32 s4, s19  }
0x9c: {  	s7 =	simm.s32 $0x0;
	s20 =	sshll.u32 s5, $0x1;
	s5 =	sadd.s32 s21, s3  }
0x9d: {  	[timem:s7], [sflag:s22] =	dma.local [hbm:s5], s20  }
0x9e: {  	_ =	swait.ge [sflag:s22], s20  }
0x9f: {  	s4 =	ssub.s32 $0x0, s20;
	[sflag:s22] =	ssyncset.done $0x0  }
0xa0: {  	[sflag:s22] =	ssyncadd.s32 s4;
	_ =	sdelay $0x1  }
0xa1: {  	s23 =	simm.s32 $0x1B8B  }
0xa2: {  	_ =	swait.ge [sflag:s23], $0x1  }
0xa3: {  	[sflag:s23] =	ssyncset.done $0x0  }
0xa4: {  	s25 =	simm.s32 $0x1B8E;
	s24 =	sld [smem:$0x3FFE];
	[sflag:s23] =	ssyncadd.s32 $0xFFFFFFFF  }
0xa5: {  	s26 =	simm.s32 $execute0_lowered;
	[smem:$0x3FD2] =	sst s25  }
0xa6: {  	s5 =	sshll.u32 s26, $0x1;
	_ =	strace $0x80000046;
	[dreg:$0x1] =	wrdreg $0xFFFFFFFF  }
0xa7: {  	s28 =	simm.s32 $_size_execute0_lowered;
	s3 =	sadd.s32 s3, s5;
	[dreg:$0x0] =	wrdreg $0x0  }
0xa8: {  	s5 =	sshll.u32 s28, $0x1;
	[dreg:$0x2] =	wrdreg s3  }
0xa9: {  	[dreg:$0x3] =	wrdreg s5  }
0xaa: {  	[dreg:$0x4] =	wrdreg $0xC0  }
0xab: {  	_ =	task [dreg:s7], $0x5FFFF  }
0xac: {  	[dreg:$0x1] =	wrdreg $0xFFFFFFFF  }
0xad: {  	[dreg:$0x0] =	wrdreg $0x60  }
0xae: {  	[dreg:$0x2] =	wrdreg s2  }
0xaf: {  	[dreg:$0x3] =	wrdreg s24  }
0xb0: {  	[dreg:$0x4] =	wrdreg $0x9  }
0xb1: {  	_ =	task.clear_ibuf [dreg:s7], $0x5FFFF;
	_ =	strace $0x90000046  }
0xb2: {  	s29 =	simm.s32 $0x9;
	_ =	strace $0x80000048  }
0xb3: {  	_ =	swait.ge [sflag:s29], $0x1  }
0xb4: {  	[sflag:s29] =	ssyncadd.s32 $0xFFFFFFFF  }
0xb5: {  	_ =	strace $0x90000048  }
0xb6: {  	_ =	sfence  }
0xb7: {  	s30 =	sld [smem:$0x0];
	_ =	sdelay $0x2  }
0xb8: {  	s31 =	sshll.u32 s1, $0xD;
	s1 =	sshrl.u32 s1, $0x2  }
0xb9: {  	s3 =	sand.u32 $0x4000, s31;
	s1 =	sadd.s32 s1, s30  }
0xba: {  	s0 =	sor.u32 s3, s0;
	s1 =	sshll.u32 s1, $0x11  }
0xbb: {  	s0 =	sor.u32 s1, s0  }
0xbc: {  	s0 =	sadd.s32 $0x8F2B, s0  }
0xbd: {  	[sflag:s0] =	ssyncadd.remote.s32 $0x1  }
0xbe: {  	_ =	sfence.sel $0xFFFF  }
0xbf: {  	[dreg:$0x0] =	wrdreg $0xFFFFFFFF;
	(pc) =	sbr.abs _section_cstart, $3  }
0xc0: {  	[dreg:$0x1] =	wrdreg $0xFFFFFFFF  }
0xc1: {  	_ =	task.clear_ibuf [dreg:s7], $0x2FFFF;
	_ =	strace $0x9FFFFFFF  }
0xc2: {  	(tm) =	ssettm $0x7FFFFFFF  }
0xc3: {  	_ =	shalt  }
tec
execute0_lowered:
.L_overlay_start_1:
0x0: {  	(tag) =	ssettag $0x1  }
0x1: {  	s4 =	rddreg [dreg:$0x0];
	s1 =	srdreg.scid  }
0x2: {  	s0 =	stileid.u32;
	s5 =	rddreg [dreg:$0x1]  }
0x3: {  	s2 =	simm.s32 $0x0;
	s3 =	sand.u32 $0x1, s1;
	s6 =	sshll.u32 s0, $0x1  }
0x4: {  	s11 =	simm.s32 $0x1;
	s12 =	simm.s32 $0x2780;
	s6 =	sor.u32 s3, s6  }
0x5: {  	s13 =	simm.s32 $0x0;
	[smem:$0x7FF] =	sst s2;
	s6 =	smul.u32 $0x2710, s6  }
0x6: {  	s1 =	rddreg [dreg:$0x2];
	_ =	strace $0x80000047;
	s7 =	ssub.s32 $0x2, s3  }
0x7: {  	s3 =	sadd.s32 $0xB600, s5;
	s8 =	sshrl.u32 s7, $0x1;
	s6 =	sshrl.u32 s6, $0x3  }
0x8: {  	s7 =	ssub.s32 s7, s8;
	s5 =	sadd.s32 s6, s5;
	s4 =	sadd.s32 s4, s6  }
0x9: {  	s6 =	smax.u32 s7, $0x1;
	s5 =	sadd.s32 $0xE800, s5;
	s7 =	sadd.s32 $0xFA, s4  }
0xa: {  	v0 =	vimm.f32 $1.000000000e+00;
	s8 =	sadd.s32 $0x1F4, s4;
	s9 =	sadd.s32 $0x2EE, s4;
	s10 =	sadd.s32 $0x3E8, s4  }
.LBB2_1:
0xb: {  	[tilespmem:s2], [sflag:$0x1] =	stream.linear.gather [hbm4b:s3+s2], $0x2710, $0x38;
	[tilespmem:$0x2F80] =	vst v63  }
0xc: {  	_ =	swait.ge [sflag:s11], $0x2710  }
0xd: {  	[sflag:s11] =	ssyncset.done $0x0  }
0xe: {  	[sflag:s11] =	ssyncadd.s32 $0xFFFFD8F0  }
0xf: {  	[tilespmem:s12], [sflag:$0x1] =	stream.linear.gather [hbm4b:s4+s2], $0x7D0, $0x38;
	[tilespmem:$0x2F80] =	vst v63  }
0x10: {  	_ =	swait.ge [sflag:s11], $0x7D0  }
0x11: {  	[sflag:s11] =	ssyncset.done $0x0  }
0x12: {  	s15 =	simm.s32 $0x0;
	s14 =	simm.s32 $0x40;
	[sflag:s11] =	ssyncadd.s32 $0xFFFFF830  }
.LBB2_2:
0x13: {  	p0 =	sne.s32 s14, $0x1F00;
	v1 =	vld [tilespmem:s15+$0x2780];
	_ =	sdelay $0x3  }
.Ltmp0:
0x14: {  	(pc) =	sbr.rel @p0 .LBB2_2-.Ltmp0, $2  }
0x15: {  	_ =	sdelay $0x2  }
0x16: {  	s15 =	sshra.s32 s14, $0x2;
	s14 =	sadd.s32 $0x40, s14;
	[tilespmem:v1+s2+$0x0] =	vst.idx.add.f32.msk $0xffff, v0  }
0x17: {  	v1 =	vld [tilespmem:s15+$0x2780];
	_ =	sdelay $0x7  }
0x18: {  	s14 =	simm.s32 $0x0;
	[tilespmem:v1+s2+$0x0] =	vst.idx.add.f32.msk $0xffff, v0  }
0x19: {  	[tilespmem:s12], [sflag:$0x1] =	stream.linear.gather [hbm4b:s7+s14], $0x7D0, $0x38;
	[tilespmem:$0x2F80] =	vst v63  }
0x1a: {  	_ =	swait.ge [sflag:s11], $0x7D0  }
0x1b: {  	[sflag:s11] =	ssyncset.done $0x0  }
0x1c: {  	s15 =	simm.s32 $0x0;
	s14 =	simm.s32 $0x40;
	[sflag:s11] =	ssyncadd.s32 $0xFFFFF830  }
.LBB2_4:
0x1d: {  	p0 =	sne.s32 s14, $0x1F00;
	v1 =	vld [tilespmem:s15+$0x2780];
	_ =	sdelay $0x3  }
.Ltmp1:
0x1e: {  	(pc) =	sbr.rel @p0 .LBB2_4-.Ltmp1, $2  }
0x1f: {  	_ =	sdelay $0x2  }
0x20: {  	s15 =	sshra.s32 s14, $0x2;
	s14 =	sadd.s32 $0x40, s14;
	[tilespmem:v1+s2+$0x0] =	vst.idx.add.f32.msk $0xffff, v0  }
0x21: {  	v1 =	vld [tilespmem:s15+$0x2780];
	_ =	sdelay $0x7  }
0x22: {  	s14 =	simm.s32 $0x0;
	[tilespmem:v1+s2+$0x0] =	vst.idx.add.f32.msk $0xffff, v0  }
0x23: {  	[tilespmem:s12], [sflag:$0x1] =	stream.linear.gather [hbm4b:s8+s14], $0x7D0, $0x38;
	[tilespmem:$0x2F80] =	vst v63  }
0x24: {  	_ =	swait.ge [sflag:s11], $0x7D0  }
0x25: {  	[sflag:s11] =	ssyncset.done $0x0  }
0x26: {  	s15 =	simm.s32 $0x0;
	s14 =	simm.s32 $0x40;
	[sflag:s11] =	ssyncadd.s32 $0xFFFFF830  }
.LBB2_6:
0x27: {  	p0 =	sne.s32 s14, $0x1F00;
	v1 =	vld [tilespmem:s15+$0x2780];
	_ =	sdelay $0x3  }
.Ltmp2:
0x28: {  	(pc) =	sbr.rel @p0 .LBB2_6-.Ltmp2, $2  }
0x29: {  	_ =	sdelay $0x2  }
0x2a: {  	s15 =	sshra.s32 s14, $0x2;
	s14 =	sadd.s32 $0x40, s14;
	[tilespmem:v1+s2+$0x0] =	vst.idx.add.f32.msk $0xffff, v0  }
0x2b: {  	v1 =	vld [tilespmem:s15+$0x2780];
	_ =	sdelay $0x7  }
0x2c: {  	s14 =	simm.s32 $0x0;
	[tilespmem:v1+s2+$0x0] =	vst.idx.add.f32.msk $0xffff, v0  }
0x2d: {  	[tilespmem:s12], [sflag:$0x1] =	stream.linear.gather [hbm4b:s9+s14], $0x7D0, $0x38;
	[tilespmem:$0x2F80] =	vst v63  }
0x2e: {  	_ =	swait.ge [sflag:s11], $0x7D0  }
0x2f: {  	[sflag:s11] =	ssyncset.done $0x0  }
0x30: {  	s15 =	simm.s32 $0x0;
	s14 =	simm.s32 $0x40;
	[sflag:s11] =	ssyncadd.s32 $0xFFFFF830  }
.LBB2_8:
0x31: {  	p0 =	sne.s32 s14, $0x1F00;
	v1 =	vld [tilespmem:s15+$0x2780];
	_ =	sdelay $0x3  }
.Ltmp3:
0x32: {  	(pc) =	sbr.rel @p0 .LBB2_8-.Ltmp3, $2  }
0x33: {  	_ =	sdelay $0x2  }
0x34: {  	s15 =	sshra.s32 s14, $0x2;
	s14 =	sadd.s32 $0x40, s14;
	[tilespmem:v1+s2+$0x0] =	vst.idx.add.f32.msk $0xffff, v0  }
0x35: {  	v1 =	vld [tilespmem:s15+$0x2780];
	_ =	sdelay $0x7  }
0x36: {  	s14 =	simm.s32 $0x0;
	[tilespmem:v1+s2+$0x0] =	vst.idx.add.f32.msk $0xffff, v0  }
0x37: {  	[tilespmem:s12], [sflag:$0x1] =	stream.linear.gather [hbm4b:s10+s14], $0x7D0, $0x38;
	[tilespmem:$0x2F80] =	vst v63  }
0x38: {  	_ =	swait.ge [sflag:s11], $0x7D0  }
0x39: {  	[sflag:s11] =	ssyncset.done $0x0  }
0x3a: {  	s15 =	simm.s32 $0x0;
	s14 =	simm.s32 $0x40;
	[sflag:s11] =	ssyncadd.s32 $0xFFFFF830  }
.LBB2_10:
0x3b: {  	p0 =	sne.s32 s14, $0x1F00;
	v1 =	vld [tilespmem:s15+$0x2780];
	_ =	sdelay $0x3  }
.Ltmp4:
0x3c: {  	(pc) =	sbr.rel @p0 .LBB2_10-.Ltmp4, $2  }
0x3d: {  	_ =	sdelay $0x2  }
0x3e: {  	s15 =	sshra.s32 s14, $0x2;
	s14 =	sadd.s32 $0x40, s14;
	[tilespmem:v1+s2+$0x0] =	vst.idx.add.f32.msk $0xffff, v0  }
0x3f: {  	v1 =	vld [tilespmem:s15+$0x2780];
	_ =	sdelay $0x5  }
0x40: {  	s13 =	sadd.s32 $0x1, s13  }
0x41: {  	p0 =	sne.s32 s13, s6  }
.Ltmp5:
0x42: {  	[tilespmem:v1+s2+$0x0] =	vst.idx.add.f32.msk $0xffff, v0;
	(pc) =	sbr.rel @p0 .LBB2_1-.Ltmp5, $4  }
0x43: {  	[hbm4b:s5+s2] =	stream.linear.scatter [tilespmem:s2], [sflag:$0x1], $0x2710, $0x38;
	[tilespmem:$0x2F80] =	vst v63  }
0x44: {  	_ =	swait.ge [sflag:s11], $0x2710  }
0x45: {  	[sflag:s11] =	ssyncset.done $0x0  }
0x46: {  	[sflag:s11] =	ssyncadd.s32 $0xFFFFD8F0  }
0x47: {  	_ =	sfence.sel $0x180000  }
0x48: {  	[bflag:$0x0] =	sbarrier.arrive $0xFFFF  }
0x49: {  	p0 =	sne.s32 s0, $0x0;
	_ =	strace $0x90000047  }
0x4a: {  	s0 =	sadd.s32 @!p0 $0x100000, s1;
	[bflag:$0x2] =	sbarrier.arrive $0xFFFF  }
0x4b: {  	[sflag:s0] =	ssyncadd.tile.s32 @!p0 $0x1;
	_ =	shalt  }
.Lfunc_end2:
_tile_overlayer_lowered:
.L_overlay_start_2:
0x4c: {  	(tag) =	ssettag $0x2  }
0x4d: {  	s0 =	rddreg [dreg:$0x0];
	s2 =	stileid.u32  }
0x4e: {  	s1 =	rddreg [dreg:$0x1];
	p0 =	sne.s32 s2, $0x0  }
0x4f: {  	s3 =	rddreg [dreg:$0x2];
	[bflag:$0x3] =	sbarrier.arrive $0xFFFF;
	s2 =	simm.s32 @!p0 $0x1C01  }
0x50: {  	[timem:s3], [sflag:s2] =	dma.local @!p0 [hbm:s0], s1  }
0x51: {  	s0 =	simm.s32 @!p0 $0x1  }
0x52: {  	_ =	swait.ge @!p0 [sflag:s0], s1  }
0x53: {  	s1 =	ssub.s32 @!p0 $0x0, s1;
	[sflag:s0] =	ssyncset.done @!p0 $0x0  }
0x54: {  	[sflag:s0] =	ssyncadd.s32 @!p0 s1  }
0x55: {  	[bflag:$0x3] =	sbarrier.arrive $0xFFFF  }
0x56: {  	_ =	shalt  }

// kernel: kernel.9.cloned.1.call-start
scs
__scs_entry_jumppad:
0x0: {  	(pc) =	sbr.rel $0x88, $3  }
0x1: {  	(tag) =	ssettag $0x0;
	lr =	simm.s32 $0x1  }
0x2: {  	[smem:$0x3F94] =	sst lr;
	_ =	strace $0xD0000000  }
0x3: {  	_ = 	snop  }
0x4: {  	_ = 	snop  }
0x5: {  	_ = 	snop  }
0x6: {  	_ = 	snop  }
0x7: {  	_ = 	snop  }
__scs_overlays_trampoline_lowered:
0x8: {  	[smem:$0x3FA3] =	sst s0  }
0x9: {  	[smem:$0x3FA4] =	sst s1  }
0xa: {  	[smem:$0x3FA5] =	sst s2  }
0xb: {  	[smem:$0x3FA6] =	sst s3  }
0xc: {  	[smem:$0x3FA7] =	sst s4  }
0xd: {  	[smem:$0x3FA8] =	sst s5  }
0xe: {  	[smem:$0x3FA9] =	sst s6  }
0xf: {  	[smem:$0x3FAA] =	sst s7  }
0x10: {  	[smem:$0x3FAB] =	sst s8  }
0x11: {  	[smem:$0x3FAC] =	sst s9;
	s0 =	simm.s32 @!p0 $0x0  }
0x12: {  	s1 =	sld [smem:$0x3F92];
	s0 =	simm.s32 @p0 $0x1  }
0x13: {  	[smem:$0x3FAD] =	sst s0;
	s0 =	simm.s32 @!p1 $0x0  }
0x14: {  	s2 =	sld [smem:$0x3F91];
	s0 =	simm.s32 @p1 $0x1  }
0x15: {  	[smem:$0x3FAE] =	sst s0;
	s0 =	simm.s32 @!p2 $0x0  }
0x16: {  	s3 =	sld [smem:$0x3FDB];
	s0 =	simm.s32 @p2 $0x1  }
0x17: {  	s4 =	simm.s32 $0x1BF5;
	[smem:$0x3FB0] =	sst s0  }
0x18: {  	s0 =	sld [smem:$0x3F93];
	_ =	swait.ge [sflag:s4], $0x0  }
0x19: {  	s7 =	sld [smem:$0x3F94]  }
0x1a: {  	s8 =	sadd.s32 $0xFFFFE003, lr  }
0x1b: {  	s9 =	sadd.s32 $0xFFFFFEF7, lr;
	s5 =	simm.s32 $0xFFFFFFFF;
	p2 =	slt.u32 s8, $0xFFFFF086  }
0x1c: {  	p1 =	slt.u32 s9, $0xF7A;
	s5 =	simm.s32 @!p2 $0x0  }
0x1d: {  	s5 =	simm.s32 @p1 $0x1;
	p0 =	seq.s32 s7, s2  }
0x1e: {  	s7 =	smul.u32 @!p0 $0xF7A, s2;
	p2 =	seq.s32 @!p0 s5, $0x0  }
0x1f: {  	s9 =	smul.u32 $0xF7A, s1;
	s8 =	simm.s32 @!p0 $0x1BF5;
	p2 =	por !p2, p0  }
0x20: {  	[sflag:s8] =	ssyncset.s32 @!p0 $0xFFFFF086;
	s6 =	sadd.s32 @!p0 s3, s7;
	s7 =	simm.s32 @!p0 $0x108  }
0x21: {  	s3 =	sadd.s32 s3, s9;
	s6 =	sadd.s32 @!p0 $0x88, s6;
	s7 =	simm.s32 @p2 $0x1082  }
0x22: {  	[simem:s7], [sflag:s8] =	dma.local @!p0 [hbm:s6], $0xF7A  }
0x23: {  	s9 =	sor.u32 $0xD0000000, s2;
	s6 =	simm.s32 $0x108;
	_ =	swait.ge @!p0 [sflag:s8], $0x0  }
0x24: {  	s3 =	sadd.s32 $0x88, s3;
	s6 =	simm.s32 @!p1 $0x1082;
	[sflag:s4] =	ssyncset.s32 $0xFFFFF086  }
0x25: {  	[simem:s6], [sflag:s4] =	dma.local [hbm:s3], $0xF7A  }
0x26: {  	[smem:$0x3F94] =	sst s1;
	(tag) =	ssettag s2;
	_ =	strace s9  }
0x27: {  	s1 =	sld [smem:$0x3FA4]  }
0x28: {  	s2 =	sld [smem:$0x3FA5]  }
0x29: {  	s4 =	sld [smem:$0x3FA7]  }
0x2a: {  	p0 =	seq.s32 s5, $0x0;
	s5 =	sld [smem:$0x3FA8]  }
0x2b: {  	s6 =	sld [smem:$0x3FA9]  }
0x2c: {  	s7 =	sld [smem:$0x3FAA]  }
0x2d: {  	s3 =	simm.s32 $0x108;
	s8 =	sld [smem:$0x3FAB]  }
0x2e: {  	s3 =	simm.s32 @!p0 $0x1082;
	s9 =	sld [smem:$0x3FAC]  }
0x2f: {  	lr =	sadd.s32 s0, s3;
	s0 =	sld [smem:$0x3FA3]  }
0x30: {  	s3 =	sld [smem:$0x3FA6]  }
0x31: {  	[smem:$0x3FAF] =	sst s10  }
0x32: {  	s10 =	sld [smem:$0x3FAD];
	_ =	sdelay $0x3  }
0x33: {  	p0 =	seq.s32 s10, $0x1;
	s10 =	sld [smem:$0x3FAF];
	_ =	sdelay $0x3  }
0x34: {  	[smem:$0x3FAF] =	sst s10  }
0x35: {  	s10 =	sld [smem:$0x3FAE];
	_ =	sdelay $0x3  }
0x36: {  	p1 =	seq.s32 s10, $0x1;
	s10 =	sld [smem:$0x3FAF];
	_ =	sdelay $0x3  }
0x37: {  	[smem:$0x3FAF] =	sst s10  }
0x38: {  	s10 =	sld [smem:$0x3FB0]  }
0x39: {  	_ = 	snop;
	(pc) =	sbr.ind lr, $3  }
0x3a: {  	_ = 	snop  }
0x3b: {  	_ = 	snop  }
0x3c: {  	p2 =	seq.s32 s10, $0x1;
	s10 =	sld [smem:$0x3FAF]  }
0x3d: {  	_ =	shalt  }
0x3e: {  	_ =	shalt  }
0x3f: {  	_ =	shalt  }
0x40: {  	_ =	shalt  }
0x41: {  	_ =	shalt  }
0x42: {  	_ =	shalt  }
0x43: {  	_ =	shalt  }
0x44: {  	_ =	shalt  }
0x45: {  	_ =	shalt  }
0x46: {  	_ =	shalt  }
0x47: {  	_ =	shalt  }
0x48: {  	_ =	shalt  }
0x49: {  	_ =	shalt  }
0x4a: {  	_ =	shalt  }
0x4b: {  	_ =	shalt  }
0x4c: {  	_ =	shalt  }
0x4d: {  	_ =	shalt  }
0x4e: {  	_ =	shalt  }
0x4f: {  	_ =	shalt  }
0x50: {  	_ =	shalt  }
0x51: {  	_ =	shalt  }
0x52: {  	_ =	shalt  }
0x53: {  	_ =	shalt  }
0x54: {  	_ =	shalt  }
0x55: {  	_ =	shalt  }
0x56: {  	_ =	shalt  }
0x57: {  	_ =	shalt  }
0x58: {  	_ =	shalt  }
0x59: {  	_ =	shalt  }
0x5a: {  	_ =	shalt  }
0x5b: {  	_ =	shalt  }
0x5c: {  	_ =	shalt  }
0x5d: {  	_ =	shalt  }
0x5e: {  	_ =	shalt  }
0x5f: {  	_ =	shalt  }
0x60: {  	_ =	shalt  }
0x61: {  	_ =	shalt  }
0x62: {  	_ =	shalt  }
0x63: {  	_ =	shalt  }
0x64: {  	_ =	shalt  }
0x65: {  	_ =	shalt  }
0x66: {  	_ =	shalt  }
0x67: {  	_ =	shalt  }
0x68: {  	_ =	shalt  }
0x69: {  	_ =	shalt  }
0x6a: {  	_ =	shalt  }
0x6b: {  	_ =	shalt  }
0x6c: {  	_ =	shalt  }
0x6d: {  	_ =	shalt  }
0x6e: {  	_ =	shalt  }
0x6f: {  	_ =	shalt  }
0x70: {  	_ =	shalt  }
0x71: {  	_ =	shalt  }
0x72: {  	_ =	shalt  }
0x73: {  	_ =	shalt  }
0x74: {  	_ =	shalt  }
0x75: {  	_ =	shalt  }
0x76: {  	_ =	shalt  }
0x77: {  	_ =	shalt  }
0x78: {  	_ =	shalt  }
0x79: {  	_ =	shalt  }
0x7a: {  	_ =	shalt  }
0x7b: {  	_ =	shalt  }
0x7c: {  	_ =	shalt  }
0x7d: {  	_ =	shalt  }
0x7e: {  	_ =	shalt  }
0x7f: {  	_ =	shalt  }
0x80: {  	_ =	shalt  }
0x81: {  	_ =	shalt  }
0x82: {  	_ =	shalt  }
0x83: {  	_ =	shalt  }
0x84: {  	_ =	shalt  }
0x85: {  	_ =	shalt  }
0x86: {  	_ =	shalt  }
0x87: {  	_ =	shalt  }
.Lfunc_end0:
.L_simem_size_0:
called_computation.1_lowered:
.L_overlay_start_0:
0x88: {  	s2 =	sld [smem:$0x3FD9]  }
0x89: {  	s3 =	sld [smem:$0x3FFE];
	_ =	sdelay $0x1  }
0x8a: {  	s1 =	srdreg.scid  }
0x8b: {  	s0 =	sand.u32 $0x1, s1  }
0x8c: {  	s17 =	sshll.u32 s0, $0xA;
	s2 =	sadd.s32 s3, s2  }
0x8d: {  	s2 =	sadd.s32 s2, s17  }
0x8e: {  	[smem:$0x3FBB] =	sst s2  }
0x8f: {  	_ = 	snop  }
0x90: {  	s2 =	sld [smem:$0x3FD0];
	(tm) =	ssettm $0x1  }
0x91: {  	s18 =	sld [smem:$0x3FFB];
	_ =	sdelay $0x3  }
0x92: {  	_ =	strace s18  }
0x93: {  	s3 =	sld [smem:$0x3FFC];
	_ =	sdelay $0x3  }
0x94: {  	_ =	strace s3  }
0x95: {  	s3 =	sld [smem:$0x3FFD];
	_ =	sdelay $0x3  }
0x96: {  	_ =	strace s3  }
0x97: {  	_ =	strace $0x8FFFFFFF  }
0x98: {  	s19 =	sld [smem:$0x3FDB];
	_ =	sdelay $0x1  }
0x99: {  	s4 =	simm.s32 $_scs_section_size  }
0x9a: {  	s5 =	simm.s32 $_size__tile_overlayer_lowered;
	s6 =	simm.s32 $_tile_overlayer_lowered  }
0x9b: {  	s22 =	simm.s32 $0x1BFF;
	s21 =	sshll.u32 s6, $0x1;
	s3 =	sadd.s32 s4, s19  }
0x9c: {  	s7 =	simm.s32 $0x0;
	s20 =	sshll.u32 s5, $0x1;
	s5 =	sadd.s32 s21, s3  }
0x9d: {  	[timem:s7], [sflag:s22] =	dma.local [hbm:s5], s20  }
0x9e: {  	_ =	swait.ge [sflag:s22], s20  }
0x9f: {  	s4 =	ssub.s32 $0x0, s20;
	[sflag:s22] =	ssyncset.done $0x0  }
0xa0: {  	[sflag:s22] =	ssyncadd.s32 s4;
	_ =	sdelay $0x1  }
0xa1: {  	s23 =	simm.s32 $0x1B8B  }
0xa2: {  	_ =	swait.ge [sflag:s23], $0x1  }
0xa3: {  	[sflag:s23] =	ssyncset.done $0x0  }
0xa4: {  	s25 =	simm.s32 $0x1B8E;
	s24 =	sld [smem:$0x3FFE];
	[sflag:s23] =	ssyncadd.s32 $0xFFFFFFFF  }
0xa5: {  	s26 =	simm.s32 $execute0_lowered;
	[smem:$0x3FD2] =	sst s25  }
0xa6: {  	s5 =	sshll.u32 s26, $0x1;
	_ =	strace $0x80000049;
	[dreg:$0x1] =	wrdreg $0xFFFFFFFF  }
0xa7: {  	s28 =	simm.s32 $_size_execute0_lowered;
	s3 =	sadd.s32 s3, s5;
	[dreg:$0x0] =	wrdreg $0x0  }
0xa8: {  	s5 =	sshll.u32 s28, $0x1;
	[dreg:$0x2] =	wrdreg s3  }
0xa9: {  	[dreg:$0x3] =	wrdreg s5  }
0xaa: {  	[dreg:$0x4] =	wrdreg $0xC0  }
0xab: {  	_ =	task [dreg:s7], $0x5FFFF  }
0xac: {  	[dreg:$0x1] =	wrdreg $0xFFFFFFFF  }
0xad: {  	[dreg:$0x0] =	wrdreg $0x60  }
0xae: {  	[dreg:$0x2] =	wrdreg s24  }
0xaf: {  	[dreg:$0x3] =	wrdreg s2  }
0xb0: {  	[dreg:$0x4] =	wrdreg $0x9  }
0xb1: {  	_ =	task.clear_ibuf [dreg:s7], $0x5FFFF;
	_ =	strace $0x90000049  }
0xb2: {  	s29 =	simm.s32 $0x9;
	_ =	strace $0x8000004B  }
0xb3: {  	_ =	swait.ge [sflag:s29], $0x1  }
0xb4: {  	[sflag:s29] =	ssyncadd.s32 $0xFFFFFFFF  }
0xb5: {  	_ =	strace $0x9000004B  }
0xb6: {  	_ =	sfence  }
0xb7: {  	s30 =	sld [smem:$0x0];
	_ =	sdelay $0x2  }
0xb8: {  	s31 =	sshll.u32 s1, $0xD;
	s1 =	sshrl.u32 s1, $0x2  }
0xb9: {  	s3 =	sand.u32 $0x4000, s31;
	s1 =	sadd.s32 s1, s30  }
0xba: {  	s0 =	sor.u32 s3, s0;
	s1 =	sshll.u32 s1, $0x11  }
0xbb: {  	s0 =	sor.u32 s1, s0  }
0xbc: {  	s0 =	sadd.s32 $0x8F2B, s0  }
0xbd: {  	[sflag:s0] =	ssyncadd.remote.s32 $0x1  }
0xbe: {  	_ =	sfence.sel $0xFFFF  }
0xbf: {  	[dreg:$0x0] =	wrdreg $0xFFFFFFFF;
	(pc) =	sbr.abs _section_cstart, $3  }
0xc0: {  	[dreg:$0x1] =	wrdreg $0xFFFFFFFF  }
0xc1: {  	_ =	task.clear_ibuf [dreg:s7], $0x2FFFF;
	_ =	strace $0x9FFFFFFF  }
0xc2: {  	(tm) =	ssettm $0x7FFFFFFF  }
0xc3: {  	_ =	shalt  }
tec
execute0_lowered:
.L_overlay_start_1:
0x0: {  	(tag) =	ssettag $0x1  }
0x1: {  	s1 =	srdreg.scid  }
0x2: {  	s0 =	stileid.u32;
	s7 =	rddreg [dreg:$0x0]  }
0x3: {  	s2 =	rddreg [dreg:$0x1];
	s3 =	simm.s32 $0x0;
	s12 =	simm.s32 $0x18700  }
0x4: {  	s13 =	simm.s32 $0x1AE80;
	s14 =	simm.s32 $0x1D600;
	s15 =	simm.s32 $0x1DE00  }
0x5: {  	s16 =	simm.s32 $0x0;
	s6 =	sand.u32 $0x1, s1;
	s1 =	rddreg [dreg:$0x2]  }
0x6: {  	s30 =	sshll.u32 s0, $0x1;
	[smem:$0x7FF] =	sst s3;
	s11 =	sshrl.u32 s0, $0x1  }
0x7: {  	s5 =	sor.u32 s6, s30;
	_ =	strace $0x8000004A;
	s10 =	ssub.s32 $0x2, s6  }
0x8: {  	s6 =	sadd.s32 $0xB600, s7;
	s4 =	sand.u32 $0x3, s5;
	s9 =	smul.u32 $0x30D4, s5  }
0x9: {  	s5 =	sadd.s32 $0xE800, s7;
	s31 =	sshrl.u32 s10, $0x1;
	s8 =	smul.u32 $0x4E2, s4  }
0xa: {  	s4 =	sadd.s32 $0x1800, s7;
	s10 =	ssub.s32 s10, s31;
	s9 =	sadd.s32 s9, s7  }
0xb: {  	s10 =	smax.u32 s10, $0x1;
	s8 =	sadd.s32 s8, s7;
	s9 =	sadd.s32 $0x19A00, s9  }
0xc: {  	s7 =	sadd.s32 $0x18600, s8;
	s8 =	smul.u32 $0x9C40, s11;
	s11 =	simm.s32 $0x1  }
.LBB2_1:
0xd: {  	[tilespmem:s3], [sflag:$0x1] =	stream.linear.gather [hbm4b:s6+s3], $0x18700, $0x38;
	[tilespmem:$0x1E600] =	vst v63  }
0xe: {  	_ =	swait.ge [sflag:s11], $0x18700  }
0xf: {  	[sflag:s11] =	ssyncset.done $0x0  }
0x10: {  	[sflag:s11] =	ssyncadd.s32 $0xFFFE7900  }
0x11: {  	[tilespmem:s12], [sflag:$0x1] =	stream.linear.gather [hbm4b:s5+s3], $0x2780, $0x38;
	[tilespmem:$0x1E600] =	vst v63  }
0x12: {  	_ =	swait.ge [sflag:s11], $0x2780  }
0x13: {  	[sflag:s11] =	ssyncset.done $0x0  }
0x14: {  	[sflag:s11] =	ssyncadd.s32 $0xFFFFD880  }
0x15: {  	[tilespmem:s13], [sflag:$0x1] =	stream.linear.gather [hbm4b:s7+s3], $0x2710, $0x38;
	[tilespmem:$0x1E600] =	vst v63  }
0x16: {  	_ =	swait.ge [sflag:s11], $0x2710  }
0x17: {  	[sflag:s11] =	ssyncset.done $0x0  }
0x18: {  	s17 =	simm.s32 $0x0;
	[sflag:s11] =	ssyncadd.s32 $0xFFFFD8F0  }
.LBB2_2:
0x19: {  	s18 =	smul.u32 $0x7D0, s17;
	_ =	sdelay $0x1  }
0x1a: {  	s18 =	sadd.s32 s8, s18  }
0x1b: {  	s19 =	sshrl.u32 s18, $0x3  }
0x1c: {  	s18 =	simm.s32 $0x0;
	s20 =	sadd.s32 s4, s19  }
0x1d: {  	[tilespmem:s14], [sflag:$0x1] =	stream.linear.gather [hbm4b:s20+s18], $0x7D0, $0x38;
	[tilespmem:$0x1E600] =	vst v63  }
0x1e: {  	_ =	swait.ge [sflag:s11], $0x7D0  }
0x1f: {  	[sflag:s11] =	ssyncset.done $0x0  }
0x20: {  	s19 =	sadd.s32 s2, s19;
	[sflag:s11] =	ssyncadd.s32 $0xFFFFF830  }
0x21: {  	[tilespmem:s15], [sflag:$0x1] =	stream.linear.gather [hbm4b:s19+s18], $0x7D0, $0x38;
	[tilespmem:$0x1E600] =	vst v63  }
0x22: {  	_ =	swait.ge [sflag:s11], $0x7D0  }
0x23: {  	[sflag:s11] =	ssyncset.done $0x0  }
0x24: {  	[sflag:s11] =	ssyncadd.s32 $0xFFFFF830  }
.LBB2_3:
0x25: {  	s19 =	sshra.s32 s18, $0x2  }
0x26: {  	v0 =	vld [tilespmem:s19+$0x1D600];
	_ =	sdelay $0x5  }
0x27: {  	v1 =	vld [tilespmem:s19+$0x1DE00];
	_ =	sdelay $0x1  }
0x28: {  	v2 =	vld.idx.msk [tilespmem:v0+s13+$0x0], $0xffff;
	_ =	sdelay $0x2  }
0x29: {  	v1 =	vmul.u32 $0xA, v1;
	_ =	sdelay $0x1  }
0x2a: {  	p0 =	sne.s32 s18, $0x1F00;
	v0 =	vld.idx.msk [tilespmem:v0+s12+$0x0], $0xffff;
	v1 =	vadd.s32 v1, v2  }
.Ltmp0:
0x2b: {  	_ = 	snop;
	(pc) =	sbr.rel @p0 .LBB2_3-.Ltmp0, $2  }
0x2c: {  	_ =	sdelay $0x2  }
0x2d: {  	s18 =	sadd.s32 $0x40, s18;
	[tilespmem:v1+s3+$0x0] =	vst.idx.add.f32.msk $0xffff, v0  }
0x2e: {  	s17 =	sadd.s32 $0x1, s17  }
0x2f: {  	p0 =	sne.s32 s17, $0x14  }
.Ltmp1:
0x30: {  	_ = 	snop;
	(pc) =	sbr.rel @p0 .LBB2_2-.Ltmp1, $1  }
0x31: {  	_ =	sdelay $0x3  }
0x32: {  	s16 =	sadd.s32 $0x1, s16  }
0x33: {  	p0 =	sne.s32 s16, s10  }
.Ltmp2:
0x34: {  	_ = 	snop;
	(pc) =	sbr.rel @p0 .LBB2_1-.Ltmp2, $4  }
0x35: {  	[hbm4b:s9+s3] =	stream.linear.scatter [tilespmem:s3], [sflag:$0x1], $0x186A0, $0x38;
	[tilespmem:$0x1E600] =	vst v63  }
0x36: {  	_ =	swait.ge [sflag:s11], $0x186A0  }
0x37: {  	[sflag:s11] =	ssyncset.done $0x0  }
0x38: {  	[sflag:s11] =	ssyncadd.s32 $0xFFFE7960  }
0x39: {  	_ =	sfence.sel $0x180000  }
0x3a: {  	[bflag:$0x0] =	sbarrier.arrive $0xFFFF  }
0x3b: {  	p0 =	sne.s32 s0, $0x0;
	_ =	strace $0x9000004A  }
0x3c: {  	s0 =	sadd.s32 @!p0 $0x100000, s1;
	[bflag:$0x2] =	sbarrier.arrive $0xFFFF  }
0x3d: {  	[sflag:s0] =	ssyncadd.tile.s32 @!p0 $0x1;
	_ =	shalt  }
.Lfunc_end2:
_tile_overlayer_lowered:
.L_overlay_start_2:
0x3e: {  	(tag) =	ssettag $0x2  }
0x3f: {  	s0 =	rddreg [dreg:$0x0];
	s2 =	stileid.u32  }
0x40: {  	s1 =	rddreg [dreg:$0x1];
	p0 =	sne.s32 s2, $0x0  }
0x41: {  	s3 =	rddreg [dreg:$0x2];
	[bflag:$0x3] =	sbarrier.arrive $0xFFFF;
	s2 =	simm.s32 @!p0 $0x1C01  }
0x42: {  	[timem:s3], [sflag:s2] =	dma.local @!p0 [hbm:s0], s1  }
0x43: {  	s0 =	simm.s32 @!p0 $0x1  }
0x44: {  	_ =	swait.ge @!p0 [sflag:s0], s1  }
0x45: {  	s1 =	ssub.s32 @!p0 $0x0, s1;
	[sflag:s0] =	ssyncset.done @!p0 $0x0  }
0x46: {  	[sflag:s0] =	ssyncadd.s32 @!p0 s1  }
0x47: {  	[bflag:$0x3] =	sbarrier.arrive $0xFFFF  }
0x48: {  	_ =	shalt  }

</sc_bundles>
